<compile_context>
chip_gen: v7x
topology: tpu7x:2x2x1
jax: 0.10.2.dev20260603
libtpu: 0.0.44.dev20260713+nightly
codegen_flags: <defaults>
</compile_context>

<pallas_src>
import functools

import jax
import jax.numpy as jnp
from jax import lax
from jax.experimental import pallas as pl
from jax.experimental.pallas import tpu as pltpu
from jax.experimental.pallas import tpu_sc as plsc

N_FIELDS = 26
VOCAB = 1000
EMB_DIM = 1000
BATCH = 1024
ROWS = BATCH * N_FIELDS
NC, NS, L = 2, 16, 16
NW = NC * NS
ROWS_PER_W = ROWS // NW
CHUNK = 32
NCHUNK = ROWS_PER_W // CHUNK
NSEG = 8
TAIL_COL = (NSEG - 1) * 128
OUT_MINOR = NSEG * 128
NGROUP = ROWS_PER_W // L


def _make_gather():
    mesh = plsc.VectorSubcoreMesh(core_axis_name="c", subcore_axis_name="s")

    @functools.partial(
        pl.kernel,
        mesh=mesh,
        out_type=jax.ShapeDtypeStruct((ROWS, OUT_MINOR), jnp.float32),
        scratch_types=[
            pltpu.VMEM((ROWS_PER_W,), jnp.int32),
            pltpu.VMEM((ROWS_PER_W,), jnp.int32),
            pltpu.VMEM((CHUNK, TAIL_COL), jnp.float32),
            pltpu.VMEM((CHUNK, TAIL_COL), jnp.float32),
            pltpu.VMEM((CHUNK, 128), jnp.float32),
            pltpu.VMEM((CHUNK, 128), jnp.float32),
            pltpu.SemaphoreType.DMA,
            pltpu.SemaphoreType.DMA,
            pltpu.SemaphoreType.DMA,
            pltpu.SemaphoreType.DMA,
        ],
        compiler_params=pltpu.CompilerParams(use_tc_tiling_on_sc=True,
                                             needs_layout_passes=False),
    )
    def gather_kernel(table, aux, x_hbm, out, x_v, idx_v,
                      buf0, buf1, tbuf0, tbuf1, gsem0, gsem1, ssem0, ssem1):
        wid = lax.axis_index("s") * NC + lax.axis_index("c")
        base_row = wid * ROWS_PER_W
        pltpu.sync_copy(x_hbm.at[pl.ds(base_row, ROWS_PER_W)], x_v)

        lane = lax.broadcasted_iota(jnp.int32, (L,), 0)
        zero16i = jnp.zeros((L,), jnp.int32)
        zeros16 = jnp.zeros((L,), jnp.float32)
        cvocab = jnp.full((L,), VOCAB, jnp.int32)
        c16 = jnp.full((L,), L, jnp.int32)
        c26 = jnp.full((L,), N_FIELDS, jnp.int32)

        def idx_body(j, fld):
            v = x_v[pl.ds(j * L, L)]
            idx_v[pl.ds(j * L, L)] = v + fld * cvocab
            t = fld + c16
            return jnp.where(t >= c26, t - c26, t)

        lax.fori_loop(0, NGROUP, idx_body, lane)

        bufs = (buf0, buf1)
        tbufs = (tbuf0, tbuf1)
        gsems = (gsem0, gsem1)
        ssems = (ssem0, ssem1)

        def issue_gathers(c, b):
            off = pl.multiple_of(c * CHUNK, CHUNK)
            idx_sl = idx_v.at[pl.ds(off, CHUNK)]
            pltpu.async_copy(table.at[idx_sl, pl.ds(0, TAIL_COL)],
                             bufs[b], gsems[b])
            pltpu.async_copy(aux.at[idx_sl], tbufs[b], gsems[b])

        def wait_gathers(c, b):
            off = pl.multiple_of(c * CHUNK, CHUNK)
            idx_sl = idx_v.at[pl.ds(off, CHUNK)]
            pltpu.make_async_copy(table.at[idx_sl, pl.ds(0, TAIL_COL)],
                                  bufs[b], gsems[b]).wait()
            pltpu.make_async_copy(aux.at[idx_sl], tbufs[b],
                                  gsems[b]).wait()

        def zero_pad_rows(c, b):
            for g in range(CHUNK // L):
                xv = x_v[pl.ds(c * CHUNK + g * L, L)]
                min_x = jnp.min(xv)

                @pl.when(min_x == 0)
                def _zero(g=g, xv=xv, b=b):
                    pad = xv == zero16i
                    rows = g * L + lane

                    def body(col, carry):
                        cols = jnp.full((L,), col, jnp.int32)
                        plsc.store_scatter(tbufs[b], [rows, cols],
                                           zeros16, mask=pad)
                        for rep in range(NSEG - 1):
                            cols7 = cols + jnp.full((L,), rep * 128,
                                                    jnp.int32)
                            plsc.store_scatter(bufs[b], [rows, cols7],
                                               zeros16, mask=pad)
                        return carry

                    lax.fori_loop(0, 128, body, 0)

        def scatters(c, b, issue):
            r0 = pl.multiple_of(base_row + c * CHUNK, CHUNK)
            pairs = [(bufs[b], out.at[pl.ds(r0, CHUNK), pl.ds(0, TAIL_COL)]),
                     (tbufs[b],
                      out.at[pl.ds(r0, CHUNK), pl.ds(TAIL_COL, 128)])]
            for src, dst in pairs:
                if issue:
                    pltpu.async_copy(src, dst, ssems[b])
                else:
                    pltpu.make_async_copy(src, dst, ssems[b]).wait()

        issue_gathers(0, 0)
        issue_gathers(1, 1)

        def chunk_body(k, carry):
            for sub in range(2):
                c = 2 * k + sub
                wait_gathers(c, sub)
                zero_pad_rows(c, sub)
                scatters(c, sub, True)
                scatters(c, sub, False)

                @pl.when(c + 2 < NCHUNK)
                def _prefetch(c=c, sub=sub):
                    issue_gathers(c + 2, sub)

            return carry

        lax.fori_loop(0, NCHUNK // 2, chunk_body, 0)

    return gather_kernel


_gather = _make_gather()


def kernel(x, tables):
    table_flat = tables.reshape(N_FIELDS * VOCAB, EMB_DIM)
    aux = jnp.concatenate(
        [tables[:, :, TAIL_COL:],
         jnp.zeros((N_FIELDS, VOCAB, OUT_MINOR - EMB_DIM), jnp.float32)],
        axis=-1)
    aux_flat = aux.reshape(N_FIELDS * VOCAB, 128)
    x_flat = x.reshape(ROWS)
    out = _gather(table_flat, aux_flat, x_flat)
    return out[:, :EMB_DIM].reshape(BATCH, N_FIELDS * EMB_DIM)

# --- scband reference (transcript-rebuilt; emitter-appended) ---
"""Pipeline reference for scband-embeddings-85847806312969 (READ-ONLY COPY).

The authoritative reference and input builder live on the scoring server;
editing this copy changes nothing except your own understanding.
"""

import jax, jax.numpy as jnp
import numpy as np

N_FIELDS = 26
VOCAB = 1000
EMB_DIM = 1000  # due to the __init__ bug, embedding_dim == num_embeddings
BATCH = 1024
PADDING_IDX = 0


def setup_inputs(seed: int = 0) -> dict:
    key = jax.random.key(seed)
    k_x, k_w = jax.random.split(key)
    x = jax.random.randint(k_x, (BATCH, N_FIELDS), 0, VOCAB, dtype=jnp.int32)
    # one stacked parameter tensor holding all 26 embedding tables (they share shape)
    tables = jax.random.normal(k_w, (N_FIELDS, VOCAB, EMB_DIM), dtype=jnp.float32)
    return {"x": x, "tables": tables}


def reference(x, tables):
    # padding_idx=0: torch initializes (and keeps, via grad masking) that row at zero
    tables_z = tables.at[:, PADDING_IDX, :].set(0.0)
    # per-field lookup: out[b, f, :] = tables_z[f, x[b, f], :]
    field_idx = jnp.arange(N_FIELDS)[None, :]  # (1, N_FIELDS)
    gathered = tables_z[field_idx, x]  # (BATCH, N_FIELDS, EMB_DIM)
    # torch.cat([e(x[:, i]) for i, e in ...], 1) == reshape over field-major layout
    out = gathered.reshape(x.shape[0], N_FIELDS * EMB_DIM)
    # embed_dropout = 0.0 -> identity
    return out

if __name__ == "__main__":
    import jax
    _d = setup_inputs()
    print(jax.jit(kernel)(*tuple(_d.values())))

</pallas_src>

<mosaic_0001>
#map = affine_map<(d0, d1) -> (0, 0)>
#map1 = affine_map<(d0, d1) -> (0)>
module attributes {stable_mosaic.version = 14 : i64} {
  func.func @gather_kernel(%arg0: i32, %arg1: i32, %arg2: memref<26000x1000xf32, #tpu.memory_space<hbm>>, %arg3: memref<26000x128xf32, #tpu.memory_space<hbm>>, %arg4: memref<26624xi32, #tpu.memory_space<hbm>>, %arg5: memref<26624x1024xf32, #tpu.memory_space<hbm>>, %arg6: memref<832xi32, #tpu.memory_space<vmem>>, %arg7: memref<832xi32, #tpu.memory_space<vmem>>, %arg8: memref<32x896xf32, #tpu.memory_space<vmem>>, %arg9: memref<32x896xf32, #tpu.memory_space<vmem>>, %arg10: memref<32x128xf32, #tpu.memory_space<vmem>>, %arg11: memref<32x128xf32, #tpu.memory_space<vmem>>, %arg12: memref<!tpu.dma_semaphore, #tpu.memory_space<semaphore_mem>>, %arg13: memref<!tpu.dma_semaphore, #tpu.memory_space<semaphore_mem>>, %arg14: memref<!tpu.dma_semaphore, #tpu.memory_space<semaphore_mem>>, %arg15: memref<!tpu.dma_semaphore, #tpu.memory_space<semaphore_mem>>) attributes {dimension_semantics = [#tpu.dimension_semantics<core_parallel>, #tpu.dimension_semantics<subcore_parallel>], iteration_bounds = array<i64: 2, 16>, scalar_prefetch = 0 : i64, scratch_operands = 10 : i64, tpu.core_type = #tpu.core_type<sc_vector_subcore>, window_params = [{transform_indices = #map}, {transform_indices = #map}, {transform_indices = #map1}, {transform_indices = #map}]} {
    %mul3A = arith.constant 2 : i32
    %mul3A_0 = arith.muli %arg1, %mul3A : i32
    %add3A = arith.addi %mul3A_0, %arg0 : i32
    %mul3A_1 = arith.constant 832 : i32
    %mul3A_2 = arith.muli %add3A, %mul3A_1 : i32
    "tpu.region"() ({
      %run_scoped3A = tpu.sem_alloc : memref<!tpu.dma_semaphore, #tpu.memory_space<semaphore_mem>>
      %dma_start3A_41 = tpu.memref_slice %arg4[%mul3A_2] : memref<26624xi32, #tpu.memory_space<hbm>> -> memref<832xi32, #tpu.memory_space<hbm>>
      %dma_start3A_42 = tpu.memref_slice %arg4[%mul3A_2] : memref<26624xi32, #tpu.memory_space<hbm>> -> memref<832xi32, #tpu.memory_space<hbm>>
      tpu.enqueue_dma source(%dma_start3A_42 : memref<832xi32, #tpu.memory_space<hbm>>) target(%arg6 : memref<832xi32, #tpu.memory_space<vmem>>) target_semaphore(%run_scoped3A : memref<!tpu.dma_semaphore, #tpu.memory_space<semaphore_mem>>)
      %dma_wait3A = tpu.memref_slice %arg4[%mul3A_2] : memref<26624xi32, #tpu.memory_space<hbm>> -> memref<832xi32, #tpu.memory_space<hbm>>
      %dma_wait3A_43 = tpu.memref_slice %arg4[%mul3A_2] : memref<26624xi32, #tpu.memory_space<hbm>> -> memref<832xi32, #tpu.memory_space<hbm>>
      tpu.wait_dma2 semaphore(%run_scoped3A : memref<!tpu.dma_semaphore, #tpu.memory_space<semaphore_mem>>) src(%dma_wait3A_43 : memref<832xi32, #tpu.memory_space<hbm>>) dst(%arg6 : memref<832xi32, #tpu.memory_space<vmem>>)
      tpu.yield
    }) : () -> ()
    %iota3A = tpu.iota {dimensions = array<i32: 0>} : vector<16xi32>
    %broadcast_in_dim3A = arith.constant 0 : i32
    %broadcast_in_dim3A_3 = vector.broadcast %broadcast_in_dim3A : i32 to vector<16xi32>
    %broadcast_in_dim3A_4 = arith.constant 0.000000e+00 : f32
    %broadcast_in_dim3A_5 = vector.broadcast %broadcast_in_dim3A_4 : f32 to vector<16xf32>
    %broadcast_in_dim3A_6 = arith.constant 1000 : i32
    %broadcast_in_dim3A_7 = vector.broadcast %broadcast_in_dim3A_6 : i32 to vector<16xi32>
    %broadcast_in_dim3A_8 = arith.constant 16 : i32
    %broadcast_in_dim3A_9 = vector.broadcast %broadcast_in_dim3A_8 : i32 to vector<16xi32>
    %broadcast_in_dim3A_10 = arith.constant 26 : i32
    %broadcast_in_dim3A_11 = vector.broadcast %broadcast_in_dim3A_10 : i32 to vector<16xi32>
    %scan3A = arith.constant 0 : i32
    %scan3A_12 = arith.constant 52 : i32
    %scan3A_13 = arith.addi %scan3A, %scan3A_12 : i32
    %scan3A_14 = arith.constant 1 : i32
    %scan3A_15 = scf.for %scan3A_41 = %scan3A to %scan3A_13 step %scan3A_14 iter_args(%scan3A_42 = %iota3A) -> (vector<16xi32>)  : i32 {
      %mul3A_43 = arith.constant 16 : i32
      %mul3A_44 = arith.muli %scan3A_41, %mul3A_43 : i32
      %get3A = arith.index_cast %mul3A_44 : i32 to index
      %get3A_45 = tpu.vector_load %arg6[%get3A] {strides = array<i32>} : memref<832xi32, #tpu.memory_space<vmem>>, vector<16xi32>,
      %mul3A_46 = arith.muli %scan3A_42, %broadcast_in_dim3A_7 : vector<16xi32>
      %add3A_47 = arith.addi %get3A_45, %mul3A_46 : vector<16xi32>
      %mul3A_48 = arith.constant 16 : i32
      %mul3A_49 = arith.muli %scan3A_41, %mul3A_48 : i32
      %swap3A = arith.index_cast %mul3A_49 : i32 to index
      %swap3A_50 = tpu.vector_load %arg7[%swap3A] {strides = array<i32>} : memref<832xi32, #tpu.memory_space<vmem>>, vector<16xi32>,
      tpu.vector_store %arg7[%swap3A], %add3A_47 {strides = array<i32>} : memref<832xi32, #tpu.memory_space<vmem>>, vector<16xi32>,
      %add3A_51 = arith.addi %scan3A_42, %broadcast_in_dim3A_9 : vector<16xi32>
      %ge3A = arith.cmpi sge, %add3A_51, %broadcast_in_dim3A_11 : vector<16xi32>
      %sub3A = arith.subi %add3A_51, %broadcast_in_dim3A_11 : vector<16xi32>
      %select_n3A = arith.select %ge3A, %sub3A, %add3A_51 : vector<16xi1>, vector<16xi32>
      scf.yield %select_n3A : vector<16xi32>
    }
    %scan3A_16 = arith.constant 52 : i32
    %multiple_of3A = arith.constant 0 : i32
    %multiple_of3A_17 = tpu.assume_multiple %multiple_of3A, 32 : i32
    %dma_start3A = tpu.memref_slice %arg7[%multiple_of3A_17] : memref<832xi32, #tpu.memory_space<vmem>> -> memref<32xi32, #tpu.memory_space<vmem>>
    %dma_start3A_18 = arith.constant 0 : i32
    %dma_start3A_19 = arith.constant 0 : i32
    %dma_start3A_20 = tpu.memref_slice %arg2[%dma_start3A_18, %dma_start3A_19] : memref<26000x1000xf32, #tpu.memory_space<hbm>> -> memref<26000x896xf32, #tpu.memory_space<hbm>>
    tpu.enqueue_indirect_dma source(%dma_start3A_20 : memref<26000x896xf32, #tpu.memory_space<hbm>>) target(%arg8 : memref<32x896xf32, #tpu.memory_space<vmem>>) offsets(%dma_start3A : memref<32xi32, #tpu.memory_space<vmem>>) semaphore(%arg12 : memref<!tpu.dma_semaphore, #tpu.memory_space<semaphore_mem>>)
    %dma_start3A_21 = tpu.memref_slice %arg7[%multiple_of3A_17] : memref<832xi32, #tpu.memory_space<vmem>> -> memref<32xi32, #tpu.memory_space<vmem>>
    %dma_start3A_22 = arith.constant 0 : i32
    %dma_start3A_23 = arith.constant 0 : i32
    %dma_start3A_24 = tpu.memref_slice %arg3[%dma_start3A_22, %dma_start3A_23] : memref<26000x128xf32, #tpu.memory_space<hbm>> -> memref<26000x128xf32, #tpu.memory_space<hbm>>
    tpu.enqueue_indirect_dma source(%dma_start3A_24 : memref<26000x128xf32, #tpu.memory_space<hbm>>) target(%arg10 : memref<32x128xf32, #tpu.memory_space<vmem>>) offsets(%dma_start3A_21 : memref<32xi32, #tpu.memory_space<vmem>>) semaphore(%arg12 : memref<!tpu.dma_semaphore, #tpu.memory_space<semaphore_mem>>)
    %multiple_of3A_25 = arith.constant 32 : i32
    %multiple_of3A_26 = tpu.assume_multiple %multiple_of3A_25, 32 : i32
    %dma_start3A_27 = tpu.memref_slice %arg7[%multiple_of3A_26] : memref<832xi32, #tpu.memory_space<vmem>> -> memref<32xi32, #tpu.memory_space<vmem>>
    %dma_start3A_28 = arith.constant 0 : i32
    %dma_start3A_29 = arith.constant 0 : i32
    %dma_start3A_30 = tpu.memref_slice %arg2[%dma_start3A_28, %dma_start3A_29] : memref<26000x1000xf32, #tpu.memory_space<hbm>> -> memref<26000x896xf32, #tpu.memory_space<hbm>>
    tpu.enqueue_indirect_dma source(%dma_start3A_30 : memref<26000x896xf32, #tpu.memory_space<hbm>>) target(%arg9 : memref<32x896xf32, #tpu.memory_space<vmem>>) offsets(%dma_start3A_27 : memref<32xi32, #tpu.memory_space<vmem>>) semaphore(%arg13 : memref<!tpu.dma_semaphore, #tpu.memory_space<semaphore_mem>>)
    %dma_start3A_31 = tpu.memref_slice %arg7[%multiple_of3A_26] : memref<832xi32, #tpu.memory_space<vmem>> -> memref<32xi32, #tpu.memory_space<vmem>>
    %dma_start3A_32 = arith.constant 0 : i32
    %dma_start3A_33 = arith.constant 0 : i32
    %dma_start3A_34 = tpu.memref_slice %arg3[%dma_start3A_32, %dma_start3A_33] : memref<26000x128xf32, #tpu.memory_space<hbm>> -> memref<26000x128xf32, #tpu.memory_space<hbm>>
    tpu.enqueue_indirect_dma source(%dma_start3A_34 : memref<26000x128xf32, #tpu.memory_space<hbm>>) target(%arg11 : memref<32x128xf32, #tpu.memory_space<vmem>>) offsets(%dma_start3A_31 : memref<32xi32, #tpu.memory_space<vmem>>) semaphore(%arg13 : memref<!tpu.dma_semaphore, #tpu.memory_space<semaphore_mem>>)
    %scan3A_35 = arith.constant 0 : i32
    %scan3A_36 = arith.constant 0 : i32
    %scan3A_37 = arith.constant 13 : i32
    %scan3A_38 = arith.addi %scan3A_36, %scan3A_37 : i32
    %scan3A_39 = arith.constant 1 : i32
    scf.for %scan3A_41 = %scan3A_36 to %scan3A_38 step %scan3A_39  : i32 {
      %mul3A_42 = arith.constant 2 : i32
      %mul3A_43 = arith.muli %mul3A_42, %scan3A_41 : i32
      %add3A_44 = arith.constant 0 : i32
      %add3A_45 = arith.addi %mul3A_43, %add3A_44 : i32
      %mul3A_46 = arith.constant 32 : i32
      %mul3A_47 = arith.muli %add3A_45, %mul3A_46 : i32
      %multiple_of3A_48 = tpu.assume_multiple %mul3A_47, 32 : i32
      %dma_wait3A = tpu.memref_slice %arg7[%multiple_of3A_48] : memref<832xi32, #tpu.memory_space<vmem>> -> memref<32xi32, #tpu.memory_space<vmem>>
      %dma_wait3A_49 = arith.constant 0 : i32
      %dma_wait3A_50 = arith.constant 0 : i32
      %dma_wait3A_51 = tpu.memref_slice %arg2[%dma_wait3A_49, %dma_wait3A_50] : memref<26000x1000xf32, #tpu.memory_space<hbm>> -> memref<26000x896xf32, #tpu.memory_space<hbm>>
      tpu.wait_indirect_dma semaphore(%arg12 : memref<!tpu.dma_semaphore, #tpu.memory_space<semaphore_mem>>) src(%dma_wait3A_51 : memref<26000x896xf32, #tpu.memory_space<hbm>>) dst(%arg8 : memref<32x896xf32, #tpu.memory_space<vmem>>)
      %dma_wait3A_52 = tpu.memref_slice %arg7[%multiple_of3A_48] : memref<832xi32, #tpu.memory_space<vmem>> -> memref<32xi32, #tpu.memory_space<vmem>>
      %dma_wait3A_53 = arith.constant 0 : i32
      %dma_wait3A_54 = arith.constant 0 : i32
      %dma_wait3A_55 = tpu.memref_slice %arg3[%dma_wait3A_53, %dma_wait3A_54] : memref<26000x128xf32, #tpu.memory_space<hbm>> -> memref<26000x128xf32, #tpu.memory_space<hbm>>
      tpu.wait_indirect_dma semaphore(%arg12 : memref<!tpu.dma_semaphore, #tpu.memory_space<semaphore_mem>>) src(%dma_wait3A_55 : memref<26000x128xf32, #tpu.memory_space<hbm>>) dst(%arg10 : memref<32x128xf32, #tpu.memory_space<vmem>>)
      %mul3A_56 = arith.constant 32 : i32
      %mul3A_57 = arith.muli %add3A_45, %mul3A_56 : i32
      %add3A_58 = arith.constant 0 : i32
      %add3A_59 = arith.addi %mul3A_57, %add3A_58 : i32
      %get3A = arith.index_cast %add3A_59 : i32 to index
      %get3A_60 = tpu.vector_load %arg6[%get3A] {strides = array<i32>} : memref<832xi32, #tpu.memory_space<vmem>>, vector<16xi32>,
      %reduce_min3A = arith.constant true
      %reduce_min3A_61 = vector.broadcast %reduce_min3A : i1 to vector<16xi1>
      %reduce_min3A_62 = arith.constant -2147483648 : i32
      %reduce_min3A_63 = vector.broadcast %reduce_min3A_62 : i32 to vector<16xi32>
      %reduce_min3A_64 = arith.xori %get3A_60, %reduce_min3A_63 : vector<16xi32>
      %reduce_min3A_65 = tpu.scan <min>, %reduce_min3A_64 masked %reduce_min3A_61 : vector<16xi32>, vector<16xi1> -> vector<16xi32>
      %reduce_min3A_66 = arith.xori %reduce_min3A_65, %reduce_min3A_63 : vector<16xi32>
      %reduce_min3A_67 = vector.extract %reduce_min3A_66[15] : i32 from vector<16xi32>
      %eq3A = arith.constant 0 : i32
      %eq3A_68 = arith.cmpi eq, %reduce_min3A_67, %eq3A : i32
      %convert_element_type3A = arith.extui %eq3A_68 : i1 to i32
      %cond3A = arith.constant 0 : i32
      %cond3A_69 = arith.cmpi ne, %convert_element_type3A, %cond3A : i32
      scf.if %cond3A_69 {
        %eq3A_203 = arith.cmpi eq, %get3A_60, %broadcast_in_dim3A_3 : vector<16xi32>
        %add3A_204 = arith.constant 0 : i32
        %add3A_205 = vector.broadcast %add3A_204 : i32 to vector<16xi32>
        %add3A_206 = arith.addi %add3A_205, %iota3A : vector<16xi32>
        %scan3A_207 = arith.constant 0 : i32
        %scan3A_208 = arith.constant 0 : i32
        %scan3A_209 = arith.constant 128 : i32
        %scan3A_210 = arith.addi %scan3A_208, %scan3A_209 : i32
        %scan3A_211 = arith.constant 1 : i32
        scf.for %scan3A_213 = %scan3A_208 to %scan3A_210 step %scan3A_211  : i32 {
          %broadcast_in_dim3A_214 = vector.broadcast %scan3A_213 : i32 to vector<16xi32>
          tpu.vector_store_idx %arg10[%add3A_206, %broadcast_in_dim3A_214], %broadcast_in_dim3A_5 masked %eq3A_203 : memref<32x128xf32, #tpu.memory_space<vmem>>[vector<16xi32>, vector<16xi32>], vector<16xf32>, vector<16xi1>
          %broadcast_in_dim3A_215 = arith.constant 0 : i32
          %broadcast_in_dim3A_216 = vector.broadcast %broadcast_in_dim3A_215 : i32 to vector<16xi32>
          %add3A_217 = arith.addi %broadcast_in_dim3A_214, %broadcast_in_dim3A_216 : vector<16xi32>
          tpu.vector_store_idx %arg8[%add3A_206, %add3A_217], %broadcast_in_dim3A_5 masked %eq3A_203 : memref<32x896xf32, #tpu.memory_space<vmem>>[vector<16xi32>, vector<16xi32>], vector<16xf32>, vector<16xi1>
          %broadcast_in_dim3A_218 = arith.constant 128 : i32
          %broadcast_in_dim3A_219 = vector.broadcast %broadcast_in_dim3A_218 : i32 to vector<16xi32>
          %add3A_220 = arith.addi %broadcast_in_dim3A_214, %broadcast_in_dim3A_219 : vector<16xi32>
          tpu.vector_store_idx %arg8[%add3A_206, %add3A_220], %broadcast_in_dim3A_5 masked %eq3A_203 : memref<32x896xf32, #tpu.memory_space<vmem>>[vector<16xi32>, vector<16xi32>], vector<16xf32>, vector<16xi1>
          %broadcast_in_dim3A_221 = arith.constant 256 : i32
          %broadcast_in_dim3A_222 = vector.broadcast %broadcast_in_dim3A_221 : i32 to vector<16xi32>
          %add3A_223 = arith.addi %broadcast_in_dim3A_214, %broadcast_in_dim3A_222 : vector<16xi32>
          tpu.vector_store_idx %arg8[%add3A_206, %add3A_223], %broadcast_in_dim3A_5 masked %eq3A_203 : memref<32x896xf32, #tpu.memory_space<vmem>>[vector<16xi32>, vector<16xi32>], vector<16xf32>, vector<16xi1>
          %broadcast_in_dim3A_224 = arith.constant 384 : i32
          %broadcast_in_dim3A_225 = vector.broadcast %broadcast_in_dim3A_224 : i32 to vector<16xi32>
          %add3A_226 = arith.addi %broadcast_in_dim3A_214, %broadcast_in_dim3A_225 : vector<16xi32>
          tpu.vector_store_idx %arg8[%add3A_206, %add3A_226], %broadcast_in_dim3A_5 masked %eq3A_203 : memref<32x896xf32, #tpu.memory_space<vmem>>[vector<16xi32>, vector<16xi32>], vector<16xf32>, vector<16xi1>
          %broadcast_in_dim3A_227 = arith.constant 512 : i32
          %broadcast_in_dim3A_228 = vector.broadcast %broadcast_in_dim3A_227 : i32 to vector<16xi32>
          %add3A_229 = arith.addi %broadcast_in_dim3A_214, %broadcast_in_dim3A_228 : vector<16xi32>
          tpu.vector_store_idx %arg8[%add3A_206, %add3A_229], %broadcast_in_dim3A_5 masked %eq3A_203 : memref<32x896xf32, #tpu.memory_space<vmem>>[vector<16xi32>, vector<16xi32>], vector<16xf32>, vector<16xi1>
          %broadcast_in_dim3A_230 = arith.constant 640 : i32
          %broadcast_in_dim3A_231 = vector.broadcast %broadcast_in_dim3A_230 : i32 to vector<16xi32>
          %add3A_232 = arith.addi %broadcast_in_dim3A_214, %broadcast_in_dim3A_231 : vector<16xi32>
          tpu.vector_store_idx %arg8[%add3A_206, %add3A_232], %broadcast_in_dim3A_5 masked %eq3A_203 : memref<32x896xf32, #tpu.memory_space<vmem>>[vector<16xi32>, vector<16xi32>], vector<16xf32>, vector<16xi1>
          %broadcast_in_dim3A_233 = arith.constant 768 : i32
          %broadcast_in_dim3A_234 = vector.broadcast %broadcast_in_dim3A_233 : i32 to vector<16xi32>
          %add3A_235 = arith.addi %broadcast_in_dim3A_214, %broadcast_in_dim3A_234 : vector<16xi32>
          tpu.vector_store_idx %arg8[%add3A_206, %add3A_235], %broadcast_in_dim3A_5 masked %eq3A_203 : memref<32x896xf32, #tpu.memory_space<vmem>>[vector<16xi32>, vector<16xi32>], vector<16xf32>, vector<16xi1>
        }
        %scan3A_212 = arith.constant 128 : i32
      } else {
      }
      %mul3A_70 = arith.constant 32 : i32
      %mul3A_71 = arith.muli %add3A_45, %mul3A_70 : i32
      %add3A_72 = arith.constant 16 : i32
      %add3A_73 = arith.addi %mul3A_71, %add3A_72 : i32
      %get3A_74 = arith.index_cast %add3A_73 : i32 to index
      %get3A_75 = tpu.vector_load %arg6[%get3A_74] {strides = array<i32>} : memref<832xi32, #tpu.memory_space<vmem>>, vector<16xi32>,
      %reduce_min3A_76 = arith.constant true
      %reduce_min3A_77 = vector.broadcast %reduce_min3A_76 : i1 to vector<16xi1>
      %reduce_min3A_78 = arith.constant -2147483648 : i32
      %reduce_min3A_79 = vector.broadcast %reduce_min3A_78 : i32 to vector<16xi32>
      %reduce_min3A_80 = arith.xori %get3A_75, %reduce_min3A_79 : vector<16xi32>
      %reduce_min3A_81 = tpu.scan <min>, %reduce_min3A_80 masked %reduce_min3A_77 : vector<16xi32>, vector<16xi1> -> vector<16xi32>
      %reduce_min3A_82 = arith.xori %reduce_min3A_81, %reduce_min3A_79 : vector<16xi32>
      %reduce_min3A_83 = vector.extract %reduce_min3A_82[15] : i32 from vector<16xi32>
      %eq3A_84 = arith.constant 0 : i32
      %eq3A_85 = arith.cmpi eq, %reduce_min3A_83, %eq3A_84 : i32
      %convert_element_type3A_86 = arith.extui %eq3A_85 : i1 to i32
      %cond3A_87 = arith.constant 0 : i32
      %cond3A_88 = arith.cmpi ne, %convert_element_type3A_86, %cond3A_87 : i32
      scf.if %cond3A_88 {
        %eq3A_203 = arith.cmpi eq, %get3A_75, %broadcast_in_dim3A_3 : vector<16xi32>
        %add3A_204 = arith.constant 16 : i32
        %add3A_205 = vector.broadcast %add3A_204 : i32 to vector<16xi32>
        %add3A_206 = arith.addi %add3A_205, %iota3A : vector<16xi32>
        %scan3A_207 = arith.constant 0 : i32
        %scan3A_208 = arith.constant 0 : i32
        %scan3A_209 = arith.constant 128 : i32
        %scan3A_210 = arith.addi %scan3A_208, %scan3A_209 : i32
        %scan3A_211 = arith.constant 1 : i32
        scf.for %scan3A_213 = %scan3A_208 to %scan3A_210 step %scan3A_211  : i32 {
          %broadcast_in_dim3A_214 = vector.broadcast %scan3A_213 : i32 to vector<16xi32>
          tpu.vector_store_idx %arg10[%add3A_206, %broadcast_in_dim3A_214], %broadcast_in_dim3A_5 masked %eq3A_203 : memref<32x128xf32, #tpu.memory_space<vmem>>[vector<16xi32>, vector<16xi32>], vector<16xf32>, vector<16xi1>
          %broadcast_in_dim3A_215 = arith.constant 0 : i32
          %broadcast_in_dim3A_216 = vector.broadcast %broadcast_in_dim3A_215 : i32 to vector<16xi32>
          %add3A_217 = arith.addi %broadcast_in_dim3A_214, %broadcast_in_dim3A_216 : vector<16xi32>
          tpu.vector_store_idx %arg8[%add3A_206, %add3A_217], %broadcast_in_dim3A_5 masked %eq3A_203 : memref<32x896xf32, #tpu.memory_space<vmem>>[vector<16xi32>, vector<16xi32>], vector<16xf32>, vector<16xi1>
          %broadcast_in_dim3A_218 = arith.constant 128 : i32
          %broadcast_in_dim3A_219 = vector.broadcast %broadcast_in_dim3A_218 : i32 to vector<16xi32>
          %add3A_220 = arith.addi %broadcast_in_dim3A_214, %broadcast_in_dim3A_219 : vector<16xi32>
          tpu.vector_store_idx %arg8[%add3A_206, %add3A_220], %broadcast_in_dim3A_5 masked %eq3A_203 : memref<32x896xf32, #tpu.memory_space<vmem>>[vector<16xi32>, vector<16xi32>], vector<16xf32>, vector<16xi1>
          %broadcast_in_dim3A_221 = arith.constant 256 : i32
          %broadcast_in_dim3A_222 = vector.broadcast %broadcast_in_dim3A_221 : i32 to vector<16xi32>
          %add3A_223 = arith.addi %broadcast_in_dim3A_214, %broadcast_in_dim3A_222 : vector<16xi32>
          tpu.vector_store_idx %arg8[%add3A_206, %add3A_223], %broadcast_in_dim3A_5 masked %eq3A_203 : memref<32x896xf32, #tpu.memory_space<vmem>>[vector<16xi32>, vector<16xi32>], vector<16xf32>, vector<16xi1>
          %broadcast_in_dim3A_224 = arith.constant 384 : i32
          %broadcast_in_dim3A_225 = vector.broadcast %broadcast_in_dim3A_224 : i32 to vector<16xi32>
          %add3A_226 = arith.addi %broadcast_in_dim3A_214, %broadcast_in_dim3A_225 : vector<16xi32>
          tpu.vector_store_idx %arg8[%add3A_206, %add3A_226], %broadcast_in_dim3A_5 masked %eq3A_203 : memref<32x896xf32, #tpu.memory_space<vmem>>[vector<16xi32>, vector<16xi32>], vector<16xf32>, vector<16xi1>
          %broadcast_in_dim3A_227 = arith.constant 512 : i32
          %broadcast_in_dim3A_228 = vector.broadcast %broadcast_in_dim3A_227 : i32 to vector<16xi32>
          %add3A_229 = arith.addi %broadcast_in_dim3A_214, %broadcast_in_dim3A_228 : vector<16xi32>
          tpu.vector_store_idx %arg8[%add3A_206, %add3A_229], %broadcast_in_dim3A_5 masked %eq3A_203 : memref<32x896xf32, #tpu.memory_space<vmem>>[vector<16xi32>, vector<16xi32>], vector<16xf32>, vector<16xi1>
          %broadcast_in_dim3A_230 = arith.constant 640 : i32
          %broadcast_in_dim3A_231 = vector.broadcast %broadcast_in_dim3A_230 : i32 to vector<16xi32>
          %add3A_232 = arith.addi %broadcast_in_dim3A_214, %broadcast_in_dim3A_231 : vector<16xi32>
          tpu.vector_store_idx %arg8[%add3A_206, %add3A_232], %broadcast_in_dim3A_5 masked %eq3A_203 : memref<32x896xf32, #tpu.memory_space<vmem>>[vector<16xi32>, vector<16xi32>], vector<16xf32>, vector<16xi1>
          %broadcast_in_dim3A_233 = arith.constant 768 : i32
          %broadcast_in_dim3A_234 = vector.broadcast %broadcast_in_dim3A_233 : i32 to vector<16xi32>
          %add3A_235 = arith.addi %broadcast_in_dim3A_214, %broadcast_in_dim3A_234 : vector<16xi32>
          tpu.vector_store_idx %arg8[%add3A_206, %add3A_235], %broadcast_in_dim3A_5 masked %eq3A_203 : memref<32x896xf32, #tpu.memory_space<vmem>>[vector<16xi32>, vector<16xi32>], vector<16xf32>, vector<16xi1>
        }
        %scan3A_212 = arith.constant 128 : i32
      } else {
      }
      %mul3A_89 = arith.constant 32 : i32
      %mul3A_90 = arith.muli %add3A_45, %mul3A_89 : i32
      %add3A_91 = arith.addi %mul3A_2, %mul3A_90 : i32
      %multiple_of3A_92 = tpu.assume_multiple %add3A_91, 32 : i32
      %dma_start3A_93 = arith.constant 0 : i32
      %dma_start3A_94 = tpu.memref_slice %arg5[%multiple_of3A_92, %dma_start3A_93] : memref<26624x1024xf32, #tpu.memory_space<hbm>> -> memref<32x896xf32, #tpu.memory_space<hbm>>
      %dma_start3A_95 = arith.constant 0 : i32
      %dma_start3A_96 = tpu.memref_slice %arg5[%multiple_of3A_92, %dma_start3A_95] : memref<26624x1024xf32, #tpu.memory_space<hbm>> -> memref<32x896xf32, #tpu.memory_space<hbm>>
      tpu.enqueue_dma source(%arg8 : memref<32x896xf32, #tpu.memory_space<vmem>>) target(%dma_start3A_96 : memref<32x896xf32, #tpu.memory_space<hbm>>) target_semaphore(%arg14 : memref<!tpu.dma_semaphore, #tpu.memory_space<semaphore_mem>>)
      %dma_start3A_97 = arith.constant 896 : i32
      %dma_start3A_98 = tpu.memref_slice %arg5[%multiple_of3A_92, %dma_start3A_97] : memref<26624x1024xf32, #tpu.memory_space<hbm>> -> memref<32x128xf32, #tpu.memory_space<hbm>>
      %dma_start3A_99 = arith.constant 896 : i32
      %dma_start3A_100 = tpu.memref_slice %arg5[%multiple_of3A_92, %dma_start3A_99] : memref<26624x1024xf32, #tpu.memory_space<hbm>> -> memref<32x128xf32, #tpu.memory_space<hbm>>
      tpu.enqueue_dma source(%arg10 : memref<32x128xf32, #tpu.memory_space<vmem>>) target(%dma_start3A_100 : memref<32x128xf32, #tpu.memory_space<hbm>>) target_semaphore(%arg14 : memref<!tpu.dma_semaphore, #tpu.memory_space<semaphore_mem>>)
      %mul3A_101 = arith.constant 32 : i32
      %mul3A_102 = arith.muli %add3A_45, %mul3A_101 : i32
      %add3A_103 = arith.addi %mul3A_2, %mul3A_102 : i32
      %multiple_of3A_104 = tpu.assume_multiple %add3A_103, 32 : i32
      %dma_wait3A_105 = arith.constant 0 : i32
      %dma_wait3A_106 = tpu.memref_slice %arg5[%multiple_of3A_104, %dma_wait3A_105] : memref<26624x1024xf32, #tpu.memory_space<hbm>> -> memref<32x896xf32, #tpu.memory_space<hbm>>
      %dma_wait3A_107 = arith.constant 0 : i32
      %dma_wait3A_108 = tpu.memref_slice %arg5[%multiple_of3A_104, %dma_wait3A_107] : memref<26624x1024xf32, #tpu.memory_space<hbm>> -> memref<32x896xf32, #tpu.memory_space<hbm>>
      tpu.wait_dma2 semaphore(%arg14 : memref<!tpu.dma_semaphore, #tpu.memory_space<semaphore_mem>>) src(%arg8 : memref<32x896xf32, #tpu.memory_space<vmem>>) dst(%dma_wait3A_108 : memref<32x896xf32, #tpu.memory_space<hbm>>)
      %dma_wait3A_109 = arith.constant 896 : i32
      %dma_wait3A_110 = tpu.memref_slice %arg5[%multiple_of3A_104, %dma_wait3A_109] : memref<26624x1024xf32, #tpu.memory_space<hbm>> -> memref<32x128xf32, #tpu.memory_space<hbm>>
      %dma_wait3A_111 = arith.constant 896 : i32
      %dma_wait3A_112 = tpu.memref_slice %arg5[%multiple_of3A_104, %dma_wait3A_111] : memref<26624x1024xf32, #tpu.memory_space<hbm>> -> memref<32x128xf32, #tpu.memory_space<hbm>>
      tpu.wait_dma2 semaphore(%arg14 : memref<!tpu.dma_semaphore, #tpu.memory_space<semaphore_mem>>) src(%arg10 : memref<32x128xf32, #tpu.memory_space<vmem>>) dst(%dma_wait3A_112 : memref<32x128xf32, #tpu.memory_space<hbm>>)
      %add3A_113 = arith.constant 2 : i32
      %add3A_114 = arith.addi %add3A_45, %add3A_113 : i32
      %lt3A = arith.constant 26 : i32
      %lt3A_115 = arith.cmpi slt, %add3A_114, %lt3A : i32
      %convert_element_type3A_116 = arith.extui %lt3A_115 : i1 to i32
      %cond3A_117 = arith.constant 0 : i32
      %cond3A_118 = arith.cmpi ne, %convert_element_type3A_116, %cond3A_117 : i32
      scf.if %cond3A_118 {
        %add3A_203 = arith.constant 2 : i32
        %add3A_204 = arith.addi %add3A_45, %add3A_203 : i32
        %mul3A_205 = arith.constant 32 : i32
        %mul3A_206 = arith.muli %add3A_204, %mul3A_205 : i32
        %multiple_of3A_207 = tpu.assume_multiple %mul3A_206, 32 : i32
        %dma_start3A_208 = tpu.memref_slice %arg7[%multiple_of3A_207] : memref<832xi32, #tpu.memory_space<vmem>> -> memref<32xi32, #tpu.memory_space<vmem>>
        %dma_start3A_209 = arith.constant 0 : i32
        %dma_start3A_210 = arith.constant 0 : i32
        %dma_start3A_211 = tpu.memref_slice %arg2[%dma_start3A_209, %dma_start3A_210] : memref<26000x1000xf32, #tpu.memory_space<hbm>> -> memref<26000x896xf32, #tpu.memory_space<hbm>>
        tpu.enqueue_indirect_dma source(%dma_start3A_211 : memref<26000x896xf32, #tpu.memory_space<hbm>>) target(%arg8 : memref<32x896xf32, #tpu.memory_space<vmem>>) offsets(%dma_start3A_208 : memref<32xi32, #tpu.memory_space<vmem>>) semaphore(%arg12 : memref<!tpu.dma_semaphore, #tpu.memory_space<semaphore_mem>>)
        %dma_start3A_212 = tpu.memref_slice %arg7[%multiple_of3A_207] : memref<832xi32, #tpu.memory_space<vmem>> -> memref<32xi32, #tpu.memory_space<vmem>>
        %dma_start3A_213 = arith.constant 0 : i32
        %dma_start3A_214 = arith.constant 0 : i32
        %dma_start3A_215 = tpu.memref_slice %arg3[%dma_start3A_213, %dma_start3A_214] : memref<26000x128xf32, #tpu.memory_space<hbm>> -> memref<26000x128xf32, #tpu.memory_space<hbm>>
        tpu.enqueue_indirect_dma source(%dma_start3A_215 : memref<26000x128xf32, #tpu.memory_space<hbm>>) target(%arg10 : memref<32x128xf32, #tpu.memory_space<vmem>>) offsets(%dma_start3A_212 : memref<32xi32, #tpu.memory_space<vmem>>) semaphore(%arg12 : memref<!tpu.dma_semaphore, #tpu.memory_space<semaphore_mem>>)
      } else {
      }
      %mul3A_119 = arith.constant 2 : i32
      %mul3A_120 = arith.muli %mul3A_119, %scan3A_41 : i32
      %add3A_121 = arith.constant 1 : i32
      %add3A_122 = arith.addi %mul3A_120, %add3A_121 : i32
      %mul3A_123 = arith.constant 32 : i32
      %mul3A_124 = arith.muli %add3A_122, %mul3A_123 : i32
      %multiple_of3A_125 = tpu.assume_multiple %mul3A_124, 32 : i32
      %dma_wait3A_126 = tpu.memref_slice %arg7[%multiple_of3A_125] : memref<832xi32, #tpu.memory_space<vmem>> -> memref<32xi32, #tpu.memory_space<vmem>>
      %dma_wait3A_127 = arith.constant 0 : i32
      %dma_wait3A_128 = arith.constant 0 : i32
      %dma_wait3A_129 = tpu.memref_slice %arg2[%dma_wait3A_127, %dma_wait3A_128] : memref<26000x1000xf32, #tpu.memory_space<hbm>> -> memref<26000x896xf32, #tpu.memory_space<hbm>>
      tpu.wait_indirect_dma semaphore(%arg13 : memref<!tpu.dma_semaphore, #tpu.memory_space<semaphore_mem>>) src(%dma_wait3A_129 : memref<26000x896xf32, #tpu.memory_space<hbm>>) dst(%arg9 : memref<32x896xf32, #tpu.memory_space<vmem>>)
      %dma_wait3A_130 = tpu.memref_slice %arg7[%multiple_of3A_125] : memref<832xi32, #tpu.memory_space<vmem>> -> memref<32xi32, #tpu.memory_space<vmem>>
      %dma_wait3A_131 = arith.constant 0 : i32
      %dma_wait3A_132 = arith.constant 0 : i32
      %dma_wait3A_133 = tpu.memref_slice %arg3[%dma_wait3A_131, %dma_wait3A_132] : memref<26000x128xf32, #tpu.memory_space<hbm>> -> memref<26000x128xf32, #tpu.memory_space<hbm>>
      tpu.wait_indirect_dma semaphore(%arg13 : memref<!tpu.dma_semaphore, #tpu.memory_space<semaphore_mem>>) src(%dma_wait3A_133 : memref<26000x128xf32, #tpu.memory_space<hbm>>) dst(%arg11 : memref<32x128xf32, #tpu.memory_space<vmem>>)
      %mul3A_134 = arith.constant 32 : i32
      %mul3A_135 = arith.muli %add3A_122, %mul3A_134 : i32
      %add3A_136 = arith.constant 0 : i32
      %add3A_137 = arith.addi %mul3A_135, %add3A_136 : i32
      %get3A_138 = arith.index_cast %add3A_137 : i32 to index
      %get3A_139 = tpu.vector_load %arg6[%get3A_138] {strides = array<i32>} : memref<832xi32, #tpu.memory_space<vmem>>, vector<16xi32>,
      %reduce_min3A_140 = arith.constant true
      %reduce_min3A_141 = vector.broadcast %reduce_min3A_140 : i1 to vector<16xi1>
      %reduce_min3A_142 = arith.constant -2147483648 : i32
      %reduce_min3A_143 = vector.broadcast %reduce_min3A_142 : i32 to vector<16xi32>
      %reduce_min3A_144 = arith.xori %get3A_139, %reduce_min3A_143 : vector<16xi32>
      %reduce_min3A_145 = tpu.scan <min>, %reduce_min3A_144 masked %reduce_min3A_141 : vector<16xi32>, vector<16xi1> -> vector<16xi32>
      %reduce_min3A_146 = arith.xori %reduce_min3A_145, %reduce_min3A_143 : vector<16xi32>
      %reduce_min3A_147 = vector.extract %reduce_min3A_146[15] : i32 from vector<16xi32>
      %eq3A_148 = arith.constant 0 : i32
      %eq3A_149 = arith.cmpi eq, %reduce_min3A_147, %eq3A_148 : i32
      %convert_element_type3A_150 = arith.extui %eq3A_149 : i1 to i32
      %cond3A_151 = arith.constant 0 : i32
      %cond3A_152 = arith.cmpi ne, %convert_element_type3A_150, %cond3A_151 : i32
      scf.if %cond3A_152 {
        %eq3A_203 = arith.cmpi eq, %get3A_139, %broadcast_in_dim3A_3 : vector<16xi32>
        %add3A_204 = arith.constant 0 : i32
        %add3A_205 = vector.broadcast %add3A_204 : i32 to vector<16xi32>
        %add3A_206 = arith.addi %add3A_205, %iota3A : vector<16xi32>
        %scan3A_207 = arith.constant 0 : i32
        %scan3A_208 = arith.constant 0 : i32
        %scan3A_209 = arith.constant 128 : i32
        %scan3A_210 = arith.addi %scan3A_208, %scan3A_209 : i32
        %scan3A_211 = arith.constant 1 : i32
        scf.for %scan3A_213 = %scan3A_208 to %scan3A_210 step %scan3A_211  : i32 {
          %broadcast_in_dim3A_214 = vector.broadcast %scan3A_213 : i32 to vector<16xi32>
          tpu.vector_store_idx %arg11[%add3A_206, %broadcast_in_dim3A_214], %broadcast_in_dim3A_5 masked %eq3A_203 : memref<32x128xf32, #tpu.memory_space<vmem>>[vector<16xi32>, vector<16xi32>], vector<16xf32>, vector<16xi1>
          %broadcast_in_dim3A_215 = arith.constant 0 : i32
          %broadcast_in_dim3A_216 = vector.broadcast %broadcast_in_dim3A_215 : i32 to vector<16xi32>
          %add3A_217 = arith.addi %broadcast_in_dim3A_214, %broadcast_in_dim3A_216 : vector<16xi32>
          tpu.vector_store_idx %arg9[%add3A_206, %add3A_217], %broadcast_in_dim3A_5 masked %eq3A_203 : memref<32x896xf32, #tpu.memory_space<vmem>>[vector<16xi32>, vector<16xi32>], vector<16xf32>, vector<16xi1>
          %broadcast_in_dim3A_218 = arith.constant 128 : i32
          %broadcast_in_dim3A_219 = vector.broadcast %broadcast_in_dim3A_218 : i32 to vector<16xi32>
          %add3A_220 = arith.addi %broadcast_in_dim3A_214, %broadcast_in_dim3A_219 : vector<16xi32>
          tpu.vector_store_idx %arg9[%add3A_206, %add3A_220], %broadcast_in_dim3A_5 masked %eq3A_203 : memref<32x896xf32, #tpu.memory_space<vmem>>[vector<16xi32>, vector<16xi32>], vector<16xf32>, vector<16xi1>
          %broadcast_in_dim3A_221 = arith.constant 256 : i32
          %broadcast_in_dim3A_222 = vector.broadcast %broadcast_in_dim3A_221 : i32 to vector<16xi32>
          %add3A_223 = arith.addi %broadcast_in_dim3A_214, %broadcast_in_dim3A_222 : vector<16xi32>
          tpu.vector_store_idx %arg9[%add3A_206, %add3A_223], %broadcast_in_dim3A_5 masked %eq3A_203 : memref<32x896xf32, #tpu.memory_space<vmem>>[vector<16xi32>, vector<16xi32>], vector<16xf32>, vector<16xi1>
          %broadcast_in_dim3A_224 = arith.constant 384 : i32
          %broadcast_in_dim3A_225 = vector.broadcast %broadcast_in_dim3A_224 : i32 to vector<16xi32>
          %add3A_226 = arith.addi %broadcast_in_dim3A_214, %broadcast_in_dim3A_225 : vector<16xi32>
          tpu.vector_store_idx %arg9[%add3A_206, %add3A_226], %broadcast_in_dim3A_5 masked %eq3A_203 : memref<32x896xf32, #tpu.memory_space<vmem>>[vector<16xi32>, vector<16xi32>], vector<16xf32>, vector<16xi1>
          %broadcast_in_dim3A_227 = arith.constant 512 : i32
          %broadcast_in_dim3A_228 = vector.broadcast %broadcast_in_dim3A_227 : i32 to vector<16xi32>
          %add3A_229 = arith.addi %broadcast_in_dim3A_214, %broadcast_in_dim3A_228 : vector<16xi32>
          tpu.vector_store_idx %arg9[%add3A_206, %add3A_229], %broadcast_in_dim3A_5 masked %eq3A_203 : memref<32x896xf32, #tpu.memory_space<vmem>>[vector<16xi32>, vector<16xi32>], vector<16xf32>, vector<16xi1>
          %broadcast_in_dim3A_230 = arith.constant 640 : i32
          %broadcast_in_dim3A_231 = vector.broadcast %broadcast_in_dim3A_230 : i32 to vector<16xi32>
          %add3A_232 = arith.addi %broadcast_in_dim3A_214, %broadcast_in_dim3A_231 : vector<16xi32>
          tpu.vector_store_idx %arg9[%add3A_206, %add3A_232], %broadcast_in_dim3A_5 masked %eq3A_203 : memref<32x896xf32, #tpu.memory_space<vmem>>[vector<16xi32>, vector<16xi32>], vector<16xf32>, vector<16xi1>
          %broadcast_in_dim3A_233 = arith.constant 768 : i32
          %broadcast_in_dim3A_234 = vector.broadcast %broadcast_in_dim3A_233 : i32 to vector<16xi32>
          %add3A_235 = arith.addi %broadcast_in_dim3A_214, %broadcast_in_dim3A_234 : vector<16xi32>
          tpu.vector_store_idx %arg9[%add3A_206, %add3A_235], %broadcast_in_dim3A_5 masked %eq3A_203 : memref<32x896xf32, #tpu.memory_space<vmem>>[vector<16xi32>, vector<16xi32>], vector<16xf32>, vector<16xi1>
        }
        %scan3A_212 = arith.constant 128 : i32
      } else {
      }
      %mul3A_153 = arith.constant 32 : i32
      %mul3A_154 = arith.muli %add3A_122, %mul3A_153 : i32
      %add3A_155 = arith.constant 16 : i32
      %add3A_156 = arith.addi %mul3A_154, %add3A_155 : i32
      %get3A_157 = arith.index_cast %add3A_156 : i32 to index
      %get3A_158 = tpu.vector_load %arg6[%get3A_157] {strides = array<i32>} : memref<832xi32, #tpu.memory_space<vmem>>, vector<16xi32>,
      %reduce_min3A_159 = arith.constant true
      %reduce_min3A_160 = vector.broadcast %reduce_min3A_159 : i1 to vector<16xi1>
      %reduce_min3A_161 = arith.constant -2147483648 : i32
      %reduce_min3A_162 = vector.broadcast %reduce_min3A_161 : i32 to vector<16xi32>
      %reduce_min3A_163 = arith.xori %get3A_158, %reduce_min3A_162 : vector<16xi32>
      %reduce_min3A_164 = tpu.scan <min>, %reduce_min3A_163 masked %reduce_min3A_160 : vector<16xi32>, vector<16xi1> -> vector<16xi32>
      %reduce_min3A_165 = arith.xori %reduce_min3A_164, %reduce_min3A_162 : vector<16xi32>
      %reduce_min3A_166 = vector.extract %reduce_min3A_165[15] : i32 from vector<16xi32>
      %eq3A_167 = arith.constant 0 : i32
      %eq3A_168 = arith.cmpi eq, %reduce_min3A_166, %eq3A_167 : i32
      %convert_element_type3A_169 = arith.extui %eq3A_168 : i1 to i32
      %cond3A_170 = arith.constant 0 : i32
      %cond3A_171 = arith.cmpi ne, %convert_element_type3A_169, %cond3A_170 : i32
      scf.if %cond3A_171 {
        %eq3A_203 = arith.cmpi eq, %get3A_158, %broadcast_in_dim3A_3 : vector<16xi32>
        %add3A_204 = arith.constant 16 : i32
        %add3A_205 = vector.broadcast %add3A_204 : i32 to vector<16xi32>
        %add3A_206 = arith.addi %add3A_205, %iota3A : vector<16xi32>
        %scan3A_207 = arith.constant 0 : i32
        %scan3A_208 = arith.constant 0 : i32
        %scan3A_209 = arith.constant 128 : i32
        %scan3A_210 = arith.addi %scan3A_208, %scan3A_209 : i32
        %scan3A_211 = arith.constant 1 : i32
        scf.for %scan3A_213 = %scan3A_208 to %scan3A_210 step %scan3A_211  : i32 {
          %broadcast_in_dim3A_214 = vector.broadcast %scan3A_213 : i32 to vector<16xi32>
          tpu.vector_store_idx %arg11[%add3A_206, %broadcast_in_dim3A_214], %broadcast_in_dim3A_5 masked %eq3A_203 : memref<32x128xf32, #tpu.memory_space<vmem>>[vector<16xi32>, vector<16xi32>], vector<16xf32>, vector<16xi1>
          %broadcast_in_dim3A_215 = arith.constant 0 : i32
          %broadcast_in_dim3A_216 = vector.broadcast %broadcast_in_dim3A_215 : i32 to vector<16xi32>
          %add3A_217 = arith.addi %broadcast_in_dim3A_214, %broadcast_in_dim3A_216 : vector<16xi32>
          tpu.vector_store_idx %arg9[%add3A_206, %add3A_217], %broadcast_in_dim3A_5 masked %eq3A_203 : memref<32x896xf32, #tpu.memory_space<vmem>>[vector<16xi32>, vector<16xi32>], vector<16xf32>, vector<16xi1>
          %broadcast_in_dim3A_218 = arith.constant 128 : i32
          %broadcast_in_dim3A_219 = vector.broadcast %broadcast_in_dim3A_218 : i32 to vector<16xi32>
          %add3A_220 = arith.addi %broadcast_in_dim3A_214, %broadcast_in_dim3A_219 : vector<16xi32>
          tpu.vector_store_idx %arg9[%add3A_206, %add3A_220], %broadcast_in_dim3A_5 masked %eq3A_203 : memref<32x896xf32, #tpu.memory_space<vmem>>[vector<16xi32>, vector<16xi32>], vector<16xf32>, vector<16xi1>
          %broadcast_in_dim3A_221 = arith.constant 256 : i32
          %broadcast_in_dim3A_222 = vector.broadcast %broadcast_in_dim3A_221 : i32 to vector<16xi32>
          %add3A_223 = arith.addi %broadcast_in_dim3A_214, %broadcast_in_dim3A_222 : vector<16xi32>
          tpu.vector_store_idx %arg9[%add3A_206, %add3A_223], %broadcast_in_dim3A_5 masked %eq3A_203 : memref<32x896xf32, #tpu.memory_space<vmem>>[vector<16xi32>, vector<16xi32>], vector<16xf32>, vector<16xi1>
          %broadcast_in_dim3A_224 = arith.constant 384 : i32
          %broadcast_in_dim3A_225 = vector.broadcast %broadcast_in_dim3A_224 : i32 to vector<16xi32>
          %add3A_226 = arith.addi %broadcast_in_dim3A_214, %broadcast_in_dim3A_225 : vector<16xi32>
          tpu.vector_store_idx %arg9[%add3A_206, %add3A_226], %broadcast_in_dim3A_5 masked %eq3A_203 : memref<32x896xf32, #tpu.memory_space<vmem>>[vector<16xi32>, vector<16xi32>], vector<16xf32>, vector<16xi1>
          %broadcast_in_dim3A_227 = arith.constant 512 : i32
          %broadcast_in_dim3A_228 = vector.broadcast %broadcast_in_dim3A_227 : i32 to vector<16xi32>
          %add3A_229 = arith.addi %broadcast_in_dim3A_214, %broadcast_in_dim3A_228 : vector<16xi32>
          tpu.vector_store_idx %arg9[%add3A_206, %add3A_229], %broadcast_in_dim3A_5 masked %eq3A_203 : memref<32x896xf32, #tpu.memory_space<vmem>>[vector<16xi32>, vector<16xi32>], vector<16xf32>, vector<16xi1>
          %broadcast_in_dim3A_230 = arith.constant 640 : i32
          %broadcast_in_dim3A_231 = vector.broadcast %broadcast_in_dim3A_230 : i32 to vector<16xi32>
          %add3A_232 = arith.addi %broadcast_in_dim3A_214, %broadcast_in_dim3A_231 : vector<16xi32>
          tpu.vector_store_idx %arg9[%add3A_206, %add3A_232], %broadcast_in_dim3A_5 masked %eq3A_203 : memref<32x896xf32, #tpu.memory_space<vmem>>[vector<16xi32>, vector<16xi32>], vector<16xf32>, vector<16xi1>
          %broadcast_in_dim3A_233 = arith.constant 768 : i32
          %broadcast_in_dim3A_234 = vector.broadcast %broadcast_in_dim3A_233 : i32 to vector<16xi32>
          %add3A_235 = arith.addi %broadcast_in_dim3A_214, %broadcast_in_dim3A_234 : vector<16xi32>
          tpu.vector_store_idx %arg9[%add3A_206, %add3A_235], %broadcast_in_dim3A_5 masked %eq3A_203 : memref<32x896xf32, #tpu.memory_space<vmem>>[vector<16xi32>, vector<16xi32>], vector<16xf32>, vector<16xi1>
        }
        %scan3A_212 = arith.constant 128 : i32
      } else {
      }
      %mul3A_172 = arith.constant 32 : i32
      %mul3A_173 = arith.muli %add3A_122, %mul3A_172 : i32
      %add3A_174 = arith.addi %mul3A_2, %mul3A_173 : i32
      %multiple_of3A_175 = tpu.assume_multiple %add3A_174, 32 : i32
      %dma_start3A_176 = arith.constant 0 : i32
      %dma_start3A_177 = tpu.memref_slice %arg5[%multiple_of3A_175, %dma_start3A_176] : memref<26624x1024xf32, #tpu.memory_space<hbm>> -> memref<32x896xf32, #tpu.memory_space<hbm>>
      %dma_start3A_178 = arith.constant 0 : i32
      %dma_start3A_179 = tpu.memref_slice %arg5[%multiple_of3A_175, %dma_start3A_178] : memref<26624x1024xf32, #tpu.memory_space<hbm>> -> memref<32x896xf32, #tpu.memory_space<hbm>>
      tpu.enqueue_dma source(%arg9 : memref<32x896xf32, #tpu.memory_space<vmem>>) target(%dma_start3A_179 : memref<32x896xf32, #tpu.memory_space<hbm>>) target_semaphore(%arg15 : memref<!tpu.dma_semaphore, #tpu.memory_space<semaphore_mem>>)
      %dma_start3A_180 = arith.constant 896 : i32
      %dma_start3A_181 = tpu.memref_slice %arg5[%multiple_of3A_175, %dma_start3A_180] : memref<26624x1024xf32, #tpu.memory_space<hbm>> -> memref<32x128xf32, #tpu.memory_space<hbm>>
      %dma_start3A_182 = arith.constant 896 : i32
      %dma_start3A_183 = tpu.memref_slice %arg5[%multiple_of3A_175, %dma_start3A_182] : memref<26624x1024xf32, #tpu.memory_space<hbm>> -> memref<32x128xf32, #tpu.memory_space<hbm>>
      tpu.enqueue_dma source(%arg11 : memref<32x128xf32, #tpu.memory_space<vmem>>) target(%dma_start3A_183 : memref<32x128xf32, #tpu.memory_space<hbm>>) target_semaphore(%arg15 : memref<!tpu.dma_semaphore, #tpu.memory_space<semaphore_mem>>)
      %mul3A_184 = arith.constant 32 : i32
      %mul3A_185 = arith.muli %add3A_122, %mul3A_184 : i32
      %add3A_186 = arith.addi %mul3A_2, %mul3A_185 : i32
      %multiple_of3A_187 = tpu.assume_multiple %add3A_186, 32 : i32
      %dma_wait3A_188 = arith.constant 0 : i32
      %dma_wait3A_189 = tpu.memref_slice %arg5[%multiple_of3A_187, %dma_wait3A_188] : memref<26624x1024xf32, #tpu.memory_space<hbm>> -> memref<32x896xf32, #tpu.memory_space<hbm>>
      %dma_wait3A_190 = arith.constant 0 : i32
      %dma_wait3A_191 = tpu.memref_slice %arg5[%multiple_of3A_187, %dma_wait3A_190] : memref<26624x1024xf32, #tpu.memory_space<hbm>> -> memref<32x896xf32, #tpu.memory_space<hbm>>
      tpu.wait_dma2 semaphore(%arg15 : memref<!tpu.dma_semaphore, #tpu.memory_space<semaphore_mem>>) src(%arg9 : memref<32x896xf32, #tpu.memory_space<vmem>>) dst(%dma_wait3A_191 : memref<32x896xf32, #tpu.memory_space<hbm>>)
      %dma_wait3A_192 = arith.constant 896 : i32
      %dma_wait3A_193 = tpu.memref_slice %arg5[%multiple_of3A_187, %dma_wait3A_192] : memref<26624x1024xf32, #tpu.memory_space<hbm>> -> memref<32x128xf32, #tpu.memory_space<hbm>>
      %dma_wait3A_194 = arith.constant 896 : i32
      %dma_wait3A_195 = tpu.memref_slice %arg5[%multiple_of3A_187, %dma_wait3A_194] : memref<26624x1024xf32, #tpu.memory_space<hbm>> -> memref<32x128xf32, #tpu.memory_space<hbm>>
      tpu.wait_dma2 semaphore(%arg15 : memref<!tpu.dma_semaphore, #tpu.memory_space<semaphore_mem>>) src(%arg11 : memref<32x128xf32, #tpu.memory_space<vmem>>) dst(%dma_wait3A_195 : memref<32x128xf32, #tpu.memory_space<hbm>>)
      %add3A_196 = arith.constant 2 : i32
      %add3A_197 = arith.addi %add3A_122, %add3A_196 : i32
      %lt3A_198 = arith.constant 26 : i32
      %lt3A_199 = arith.cmpi slt, %add3A_197, %lt3A_198 : i32
      %convert_element_type3A_200 = arith.extui %lt3A_199 : i1 to i32
      %cond3A_201 = arith.constant 0 : i32
      %cond3A_202 = arith.cmpi ne, %convert_element_type3A_200, %cond3A_201 : i32
      scf.if %cond3A_202 {
        %add3A_203 = arith.constant 2 : i32
        %add3A_204 = arith.addi %add3A_122, %add3A_203 : i32
        %mul3A_205 = arith.constant 32 : i32
        %mul3A_206 = arith.muli %add3A_204, %mul3A_205 : i32
        %multiple_of3A_207 = tpu.assume_multiple %mul3A_206, 32 : i32
        %dma_start3A_208 = tpu.memref_slice %arg7[%multiple_of3A_207] : memref<832xi32, #tpu.memory_space<vmem>> -> memref<32xi32, #tpu.memory_space<vmem>>
        %dma_start3A_209 = arith.constant 0 : i32
        %dma_start3A_210 = arith.constant 0 : i32
        %dma_start3A_211 = tpu.memref_slice %arg2[%dma_start3A_209, %dma_start3A_210] : memref<26000x1000xf32, #tpu.memory_space<hbm>> -> memref<26000x896xf32, #tpu.memory_space<hbm>>
        tpu.enqueue_indirect_dma source(%dma_start3A_211 : memref<26000x896xf32, #tpu.memory_space<hbm>>) target(%arg9 : memref<32x896xf32, #tpu.memory_space<vmem>>) offsets(%dma_start3A_208 : memref<32xi32, #tpu.memory_space<vmem>>) semaphore(%arg13 : memref<!tpu.dma_semaphore, #tpu.memory_space<semaphore_mem>>)
        %dma_start3A_212 = tpu.memref_slice %arg7[%multiple_of3A_207] : memref<832xi32, #tpu.memory_space<vmem>> -> memref<32xi32, #tpu.memory_space<vmem>>
        %dma_start3A_213 = arith.constant 0 : i32
        %dma_start3A_214 = arith.constant 0 : i32
        %dma_start3A_215 = tpu.memref_slice %arg3[%dma_start3A_213, %dma_start3A_214] : memref<26000x128xf32, #tpu.memory_space<hbm>> -> memref<26000x128xf32, #tpu.memory_space<hbm>>
        tpu.enqueue_indirect_dma source(%dma_start3A_215 : memref<26000x128xf32, #tpu.memory_space<hbm>>) target(%arg11 : memref<32x128xf32, #tpu.memory_space<vmem>>) offsets(%dma_start3A_212 : memref<32xi32, #tpu.memory_space<vmem>>) semaphore(%arg13 : memref<!tpu.dma_semaphore, #tpu.memory_space<semaphore_mem>>)
      } else {
      }
    }
    %scan3A_40 = arith.constant 13 : i32
    return
  }
}

</mosaic_0001>

<sc_bundles>
// kernel: kernel.3.cloned.1.call-start
scs
__scs_entry_jumppad:
0x0: {  	(pc) =	sbr.rel $0x88, $3  }
0x1: {  	(tag) =	ssettag $0x0;
	lr =	simm.s32 $0x1  }
0x2: {  	[smem:$0x3F9F] =	sst lr;
	_ =	strace $0xD0000000  }
0x3: {  	_ = 	snop  }
0x4: {  	_ = 	snop  }
0x5: {  	_ = 	snop  }
0x6: {  	_ = 	snop  }
0x7: {  	_ = 	snop  }
__scs_overlays_trampoline_lowered:
0x8: {  	[smem:$0x3FAE] =	sst s0  }
0x9: {  	[smem:$0x3FAF] =	sst s1  }
0xa: {  	[smem:$0x3FB0] =	sst s2  }
0xb: {  	[smem:$0x3FB1] =	sst s3  }
0xc: {  	[smem:$0x3FB2] =	sst s4  }
0xd: {  	[smem:$0x3FB3] =	sst s5  }
0xe: {  	[smem:$0x3FB4] =	sst s6  }
0xf: {  	[smem:$0x3FB5] =	sst s7  }
0x10: {  	[smem:$0x3FB6] =	sst s8  }
0x11: {  	[smem:$0x3FB7] =	sst s9;
	s0 =	simm.s32 @!p0 $0x0  }
0x12: {  	s1 =	sld [smem:$0x3F9D];
	s0 =	simm.s32 @p0 $0x1  }
0x13: {  	[smem:$0x3FB8] =	sst s0;
	s0 =	simm.s32 @!p1 $0x0  }
0x14: {  	s2 =	sld [smem:$0x3F9C];
	s0 =	simm.s32 @p1 $0x1  }
0x15: {  	[smem:$0x3FB9] =	sst s0;
	s0 =	simm.s32 @!p2 $0x0  }
0x16: {  	s3 =	sld [smem:$0x3FDB];
	s0 =	simm.s32 @p2 $0x1  }
0x17: {  	s4 =	simm.s32 $0x1BF5;
	[smem:$0x3FBB] =	sst s0  }
0x18: {  	s0 =	sld [smem:$0x3F9E];
	_ =	swait.ge [sflag:s4], $0x0  }
0x19: {  	s7 =	sld [smem:$0x3F9F]  }
0x1a: {  	s8 =	sadd.s32 $0xFFFFE003, lr  }
0x1b: {  	s9 =	sadd.s32 $0xFFFFFEF7, lr;
	s5 =	simm.s32 $0xFFFFFFFF;
	p2 =	slt.u32 s8, $0xFFFFF086  }
0x1c: {  	p1 =	slt.u32 s9, $0xF7A;
	s5 =	simm.s32 @!p2 $0x0  }
0x1d: {  	s5 =	simm.s32 @p1 $0x1;
	p0 =	seq.s32 s7, s2  }
0x1e: {  	s7 =	smul.u32 @!p0 $0xF7A, s2;
	p2 =	seq.s32 @!p0 s5, $0x0  }
0x1f: {  	s9 =	smul.u32 $0xF7A, s1;
	s8 =	simm.s32 @!p0 $0x1BF5;
	p2 =	por !p2, p0  }
0x20: {  	[sflag:s8] =	ssyncset.s32 @!p0 $0xFFFFF086;
	s6 =	sadd.s32 @!p0 s3, s7;
	s7 =	simm.s32 @!p0 $0x108  }
0x21: {  	s3 =	sadd.s32 s3, s9;
	s6 =	sadd.s32 @!p0 $0x88, s6;
	s7 =	simm.s32 @p2 $0x1082  }
0x22: {  	[simem:s7], [sflag:s8] =	dma.local @!p0 [hbm:s6], $0xF7A  }
0x23: {  	s9 =	sor.u32 $0xD0000000, s2;
	s6 =	simm.s32 $0x108;
	_ =	swait.ge @!p0 [sflag:s8], $0x0  }
0x24: {  	s3 =	sadd.s32 $0x88, s3;
	s6 =	simm.s32 @!p1 $0x1082;
	[sflag:s4] =	ssyncset.s32 $0xFFFFF086  }
0x25: {  	[simem:s6], [sflag:s4] =	dma.local [hbm:s3], $0xF7A  }
0x26: {  	[smem:$0x3F9F] =	sst s1;
	(tag) =	ssettag s2;
	_ =	strace s9  }
0x27: {  	s1 =	sld [smem:$0x3FAF]  }
0x28: {  	s2 =	sld [smem:$0x3FB0]  }
0x29: {  	s4 =	sld [smem:$0x3FB2]  }
0x2a: {  	p0 =	seq.s32 s5, $0x0;
	s5 =	sld [smem:$0x3FB3]  }
0x2b: {  	s6 =	sld [smem:$0x3FB4]  }
0x2c: {  	s7 =	sld [smem:$0x3FB5]  }
0x2d: {  	s3 =	simm.s32 $0x108;
	s8 =	sld [smem:$0x3FB6]  }
0x2e: {  	s3 =	simm.s32 @!p0 $0x1082;
	s9 =	sld [smem:$0x3FB7]  }
0x2f: {  	lr =	sadd.s32 s0, s3;
	s0 =	sld [smem:$0x3FAE]  }
0x30: {  	s3 =	sld [smem:$0x3FB1]  }
0x31: {  	[smem:$0x3FBA] =	sst s10  }
0x32: {  	s10 =	sld [smem:$0x3FB8];
	_ =	sdelay $0x3  }
0x33: {  	p0 =	seq.s32 s10, $0x1;
	s10 =	sld [smem:$0x3FBA];
	_ =	sdelay $0x3  }
0x34: {  	[smem:$0x3FBA] =	sst s10  }
0x35: {  	s10 =	sld [smem:$0x3FB9];
	_ =	sdelay $0x3  }
0x36: {  	p1 =	seq.s32 s10, $0x1;
	s10 =	sld [smem:$0x3FBA];
	_ =	sdelay $0x3  }
0x37: {  	[smem:$0x3FBA] =	sst s10  }
0x38: {  	s10 =	sld [smem:$0x3FBB]  }
0x39: {  	_ = 	snop;
	(pc) =	sbr.ind lr, $3  }
0x3a: {  	_ = 	snop  }
0x3b: {  	_ = 	snop  }
0x3c: {  	p2 =	seq.s32 s10, $0x1;
	s10 =	sld [smem:$0x3FBA]  }
0x3d: {  	_ =	shalt  }
0x3e: {  	_ =	shalt  }
0x3f: {  	_ =	shalt  }
0x40: {  	_ =	shalt  }
0x41: {  	_ =	shalt  }
0x42: {  	_ =	shalt  }
0x43: {  	_ =	shalt  }
0x44: {  	_ =	shalt  }
0x45: {  	_ =	shalt  }
0x46: {  	_ =	shalt  }
0x47: {  	_ =	shalt  }
0x48: {  	_ =	shalt  }
0x49: {  	_ =	shalt  }
0x4a: {  	_ =	shalt  }
0x4b: {  	_ =	shalt  }
0x4c: {  	_ =	shalt  }
0x4d: {  	_ =	shalt  }
0x4e: {  	_ =	shalt  }
0x4f: {  	_ =	shalt  }
0x50: {  	_ =	shalt  }
0x51: {  	_ =	shalt  }
0x52: {  	_ =	shalt  }
0x53: {  	_ =	shalt  }
0x54: {  	_ =	shalt  }
0x55: {  	_ =	shalt  }
0x56: {  	_ =	shalt  }
0x57: {  	_ =	shalt  }
0x58: {  	_ =	shalt  }
0x59: {  	_ =	shalt  }
0x5a: {  	_ =	shalt  }
0x5b: {  	_ =	shalt  }
0x5c: {  	_ =	shalt  }
0x5d: {  	_ =	shalt  }
0x5e: {  	_ =	shalt  }
0x5f: {  	_ =	shalt  }
0x60: {  	_ =	shalt  }
0x61: {  	_ =	shalt  }
0x62: {  	_ =	shalt  }
0x63: {  	_ =	shalt  }
0x64: {  	_ =	shalt  }
0x65: {  	_ =	shalt  }
0x66: {  	_ =	shalt  }
0x67: {  	_ =	shalt  }
0x68: {  	_ =	shalt  }
0x69: {  	_ =	shalt  }
0x6a: {  	_ =	shalt  }
0x6b: {  	_ =	shalt  }
0x6c: {  	_ =	shalt  }
0x6d: {  	_ =	shalt  }
0x6e: {  	_ =	shalt  }
0x6f: {  	_ =	shalt  }
0x70: {  	_ =	shalt  }
0x71: {  	_ =	shalt  }
0x72: {  	_ =	shalt  }
0x73: {  	_ =	shalt  }
0x74: {  	_ =	shalt  }
0x75: {  	_ =	shalt  }
0x76: {  	_ =	shalt  }
0x77: {  	_ =	shalt  }
0x78: {  	_ =	shalt  }
0x79: {  	_ =	shalt  }
0x7a: {  	_ =	shalt  }
0x7b: {  	_ =	shalt  }
0x7c: {  	_ =	shalt  }
0x7d: {  	_ =	shalt  }
0x7e: {  	_ =	shalt  }
0x7f: {  	_ =	shalt  }
0x80: {  	_ =	shalt  }
0x81: {  	_ =	shalt  }
0x82: {  	_ =	shalt  }
0x83: {  	_ =	shalt  }
0x84: {  	_ =	shalt  }
0x85: {  	_ =	shalt  }
0x86: {  	_ =	shalt  }
0x87: {  	_ =	shalt  }
.Lfunc_end0:
.L_simem_size_0:
called_computation.1_lowered:
.L_overlay_start_0:
0x88: {  	s2 =	sld [smem:$0x3FD9]  }
0x89: {  	s3 =	sld [smem:$0x3FFE];
	_ =	sdelay $0x1  }
0x8a: {  	s1 =	srdreg.scid  }
0x8b: {  	s0 =	sand.u32 $0x1, s1  }
0x8c: {  	s17 =	sshll.u32 s0, $0xA;
	s2 =	sadd.s32 s3, s2  }
0x8d: {  	s2 =	sadd.s32 s2, s17  }
0x8e: {  	[smem:$0x3FC6] =	sst s2  }
0x8f: {  	_ = 	snop  }
0x90: {  	s2 =	sld [smem:$0x3FC8]  }
0x91: {  	s18 =	sld [smem:$0x3FD0];
	(tm) =	ssettm $0x1  }
0x92: {  	s4 =	sld [smem:$0x3FFB];
	_ =	sdelay $0x3  }
0x93: {  	_ =	strace s4  }
0x94: {  	s4 =	sld [smem:$0x3FFC];
	_ =	sdelay $0x3  }
0x95: {  	_ =	strace s4  }
0x96: {  	s4 =	sld [smem:$0x3FFD];
	_ =	sdelay $0x3  }
0x97: {  	_ =	strace s4  }
0x98: {  	_ =	strace $0x8FFFFFFF  }
0x99: {  	s19 =	sld [smem:$0x3FDB];
	_ =	sdelay $0x1  }
0x9a: {  	s5 =	simm.s32 $_scs_section_size  }
0x9b: {  	s6 =	simm.s32 $_size__tile_overlayer_lowered;
	s7 =	simm.s32 $_tile_overlayer_lowered  }
0x9c: {  	s22 =	simm.s32 $0x1BFF;
	s21 =	sshll.u32 s7, $0x1;
	s4 =	sadd.s32 s5, s19  }
0x9d: {  	s8 =	simm.s32 $0x0;
	s20 =	sshll.u32 s6, $0x1;
	s6 =	sadd.s32 s21, s4  }
0x9e: {  	[timem:s8], [sflag:s22] =	dma.local [hbm:s6], s20  }
0x9f: {  	_ =	swait.ge [sflag:s22], s20  }
0xa0: {  	s5 =	ssub.s32 $0x0, s20;
	[sflag:s22] =	ssyncset.done $0x0  }
0xa1: {  	[sflag:s22] =	ssyncadd.s32 s5;
	_ =	sdelay $0x1  }
0xa2: {  	s23 =	simm.s32 $0x1B8B  }
0xa3: {  	_ =	swait.ge [sflag:s23], $0x1  }
0xa4: {  	[sflag:s23] =	ssyncset.done $0x0  }
0xa5: {  	s25 =	simm.s32 $0x1B8E;
	s24 =	sld [smem:$0x3FFE];
	[sflag:s23] =	ssyncadd.s32 $0xFFFFFFFF  }
0xa6: {  	s26 =	simm.s32 $execute0_lowered;
	[smem:$0x3FD2] =	sst s25  }
0xa7: {  	s6 =	sshll.u32 s26, $0x1;
	_ =	strace $0x80000046;
	[dreg:$0x1] =	wrdreg $0xFFFFFFFF  }
0xa8: {  	s28 =	simm.s32 $_size_execute0_lowered;
	s4 =	sadd.s32 s4, s6;
	[dreg:$0x0] =	wrdreg $0x0  }
0xa9: {  	s6 =	sshll.u32 s28, $0x1;
	[dreg:$0x2] =	wrdreg s4  }
0xaa: {  	[dreg:$0x3] =	wrdreg s6  }
0xab: {  	[dreg:$0x4] =	wrdreg $0xC0  }
0xac: {  	_ =	task [dreg:s8], $0x5FFFF  }
0xad: {  	[dreg:$0x1] =	wrdreg $0xFFFFFFFF  }
0xae: {  	[dreg:$0x0] =	wrdreg $0x60  }
0xaf: {  	[dreg:$0x2] =	wrdreg s2  }
0xb0: {  	[dreg:$0x3] =	wrdreg s18  }
0xb1: {  	[dreg:$0x4] =	wrdreg s24  }
0xb2: {  	[dreg:$0x5] =	wrdreg $0x9  }
0xb3: {  	_ =	task.clear_ibuf [dreg:s8], $0x6FFFF;
	_ =	strace $0x90000046  }
0xb4: {  	s29 =	simm.s32 $0x9;
	_ =	strace $0x80000048  }
0xb5: {  	_ =	swait.ge [sflag:s29], $0x1  }
0xb6: {  	[sflag:s29] =	ssyncadd.s32 $0xFFFFFFFF  }
0xb7: {  	_ =	strace $0x90000048  }
0xb8: {  	_ =	sfence  }
0xb9: {  	s30 =	sld [smem:$0x0];
	_ =	sdelay $0x2  }
0xba: {  	s31 =	sshll.u32 s1, $0xD;
	s1 =	sshrl.u32 s1, $0x2  }
0xbb: {  	s3 =	sand.u32 $0x4000, s31;
	s1 =	sadd.s32 s1, s30  }
0xbc: {  	s0 =	sor.u32 s3, s0;
	s1 =	sshll.u32 s1, $0x11  }
0xbd: {  	s0 =	sor.u32 s1, s0  }
0xbe: {  	s0 =	sadd.s32 $0x8F2B, s0  }
0xbf: {  	[sflag:s0] =	ssyncadd.remote.s32 $0x1  }
0xc0: {  	_ =	sfence.sel $0xFFFF  }
0xc1: {  	[dreg:$0x0] =	wrdreg $0xFFFFFFFF;
	(pc) =	sbr.abs _section_cstart, $3  }
0xc2: {  	[dreg:$0x1] =	wrdreg $0xFFFFFFFF  }
0xc3: {  	_ =	task.clear_ibuf [dreg:s8], $0x2FFFF;
	_ =	strace $0x9FFFFFFF  }
0xc4: {  	(tm) =	ssettm $0x7FFFFFFF  }
0xc5: {  	_ =	shalt  }
tec
execute0_lowered:
.L_overlay_start_1:
0x0: {  	(tag) =	ssettag $0x1  }
0x1: {  	v0 =	vlaneseq.u32;
	vm0 =	vmmov $0xffff;
	v4 =	vimm.s32 $0x1F80  }
0x2: {  	vm1 =	vcmask $0x300;
	v5 =	vimm.s32 $0x2380;
	v6 =	vimm.s32 $0x2780  }
0x3: {  	v7 =	vimm.s32 $0x2B80;
	v8 =	vimm.s32 $0x2F80;
	v9 =	vimm.s32 $0x3380  }
0x4: {  	v10 =	vimm.s32 $0x3780;
	v11 =	vimm.s32 $0x5780;
	v12 =	vimm.s32 $0x5B80  }
0x5: {  	v13 =	vimm.s32 $0x5F80;
	v14 =	vimm.s32 $0x6380;
	v15 =	vimm.s32 $0x6780  }
0x6: {  	v16 =	vimm.s32 $0x6B80;
	v17 =	vimm.s32 $0x6F80;
	v19 =	vimm.f32 $0.0e+00  }
0x7: {  	v1 =	vand.u32 $0x7, v0;
	v2 =	vshrl.u32 v0, $0x3;
	v3 =	vmul.u32 $0x80, v0  }
0x8: {  	v4 =	vsel vm1, $0x0, v4;
	v5 =	vsel vm1, $0x400, v5;
	v6 =	vsel vm1, $0x800, v6  }
0x9: {  	v7 =	vsel vm1, $0xC00, v7;
	v8 =	vsel vm1, $0x1000, v8;
	v9 =	vsel vm1, $0x1400, v9  }
0xa: {  	v10 =	vsel vm1, $0x1800, v10;
	v11 =	vsel vm1, $0x3800, v11;
	v12 =	vsel vm1, $0x3C00, v12  }
0xb: {  	v13 =	vsel vm1, $0x4000, v13;
	v14 =	vsel vm1, $0x4400, v14;
	v15 =	vsel vm1, $0x4800, v15  }
0xc: {  	v16 =	vsel vm1, $0x4C00, v16;
	v17 =	vsel vm1, $0x5000, v17;
	vm1 =	vcmask $0x704  }
0xd: {  	v4 =	vsel vm1, $0x80, v4;
	v5 =	vsel vm1, $0x480, v5;
	v6 =	vsel vm1, $0x880, v6  }
0xe: {  	v7 =	vsel vm1, $0xC80, v7;
	v8 =	vsel vm1, $0x1080, v8;
	v9 =	vsel vm1, $0x1480, v9  }
0xf: {  	v10 =	vsel vm1, $0x1880, v10;
	v11 =	vsel vm1, $0x3880, v11;
	v12 =	vsel vm1, $0x3C80, v12  }
0x10: {  	v13 =	vsel vm1, $0x4080, v13;
	v14 =	vsel vm1, $0x4480, v14;
	v15 =	vsel vm1, $0x4880, v15  }
0x11: {  	v16 =	vsel vm1, $0x4C80, v16;
	v17 =	vsel vm1, $0x5080, v17;
	vm1 =	vcmask $0xB08  }
0x12: {  	v18 =	vor.u32 $0x8, v0;
	v2 =	vmul.u32 $0x8, v2;
	v4 =	vsel vm1, $0x100, v4  }
0x13: {  	v5 =	vsel vm1, $0x500, v5;
	v6 =	vsel vm1, $0x900, v6;
	v7 =	vsel vm1, $0xD00, v7  }
0x14: {  	v8 =	vsel vm1, $0x1100, v8;
	v9 =	vsel vm1, $0x1500, v9;
	v10 =	vsel vm1, $0x1900, v10  }
0x15: {  	v11 =	vsel vm1, $0x3900, v11;
	v12 =	vsel vm1, $0x3D00, v12;
	v13 =	vsel vm1, $0x4100, v13  }
0x16: {  	v14 =	vsel vm1, $0x4500, v14;
	v15 =	vsel vm1, $0x4900, v15;
	v16 =	vsel vm1, $0x4D00, v16  }
0x17: {  	v17 =	vsel vm1, $0x5100, v17;
	vm1 =	vcmask $0xF0C;
	v20 =	vor.u32 $0x800, v3  }
0x18: {  	v4 =	vsel vm1, $0x180, v4;
	v5 =	vsel vm1, $0x580, v5;
	v6 =	vsel vm1, $0x980, v6  }
0x19: {  	v7 =	vsel vm1, $0xD80, v7;
	v8 =	vsel vm1, $0x1180, v8;
	v9 =	vsel vm1, $0x1580, v9  }
0x1a: {  	v10 =	vsel vm1, $0x1980, v10;
	v11 =	vsel vm1, $0x3980, v11;
	v12 =	vsel vm1, $0x3D80, v12  }
0x1b: {  	v13 =	vsel vm1, $0x4180, v13;
	v14 =	vsel vm1, $0x4580, v14;
	v15 =	vsel vm1, $0x4980, v15  }
0x1c: {  	v16 =	vsel vm1, $0x4D80, v16;
	v17 =	vsel vm1, $0x5180, v17;
	vm1 =	vcmask $0x1310  }
0x1d: {  	v4 =	vsel vm1, $0x200, v4;
	v5 =	vsel vm1, $0x600, v5;
	v6 =	vsel vm1, $0xA00, v6  }
0x1e: {  	v7 =	vsel vm1, $0xE00, v7;
	v8 =	vsel vm1, $0x1200, v8;
	v9 =	vsel vm1, $0x1600, v9  }
0x1f: {  	v10 =	vsel vm1, $0x1A00, v10;
	v11 =	vsel vm1, $0x3A00, v11;
	v12 =	vsel vm1, $0x3E00, v12  }
0x20: {  	v13 =	vsel vm1, $0x4200, v13;
	v14 =	vsel vm1, $0x4600, v14;
	v15 =	vsel vm1, $0x4A00, v15  }
0x21: {  	v16 =	vsel vm1, $0x4E00, v16;
	v17 =	vsel vm1, $0x5200, v17;
	vm1 =	vcmask $0x1714  }
0x22: {  	v4 =	vsel vm1, $0x280, v4;
	v5 =	vsel vm1, $0x680, v5;
	v6 =	vsel vm1, $0xA80, v6  }
0x23: {  	v7 =	vsel vm1, $0xE80, v7;
	v8 =	vsel vm1, $0x1280, v8;
	v9 =	vsel vm1, $0x1680, v9  }
0x24: {  	v10 =	vsel vm1, $0x1A80, v10;
	v11 =	vsel vm1, $0x3A80, v11;
	v12 =	vsel vm1, $0x3E80, v12  }
0x25: {  	v13 =	vsel vm1, $0x4280, v13;
	v14 =	vsel vm1, $0x4680, v14;
	v15 =	vsel vm1, $0x4A80, v15  }
0x26: {  	v16 =	vsel vm1, $0x4E80, v16;
	v17 =	vsel vm1, $0x5280, v17;
	vm1 =	vcmask $0x1B18  }
0x27: {  	v4 =	vsel vm1, $0x300, v4;
	v5 =	vsel vm1, $0x700, v5;
	v6 =	vsel vm1, $0xB00, v6  }
0x28: {  	v7 =	vsel vm1, $0xF00, v7;
	v8 =	vsel vm1, $0x1300, v8;
	v9 =	vsel vm1, $0x1700, v9  }
0x29: {  	v10 =	vsel vm1, $0x1B00, v10;
	v11 =	vsel vm1, $0x3B00, v11;
	v12 =	vsel vm1, $0x3F00, v12  }
0x2a: {  	v13 =	vsel vm1, $0x4300, v13;
	v14 =	vsel vm1, $0x4700, v14;
	v15 =	vsel vm1, $0x4B00, v15  }
0x2b: {  	v16 =	vsel vm1, $0x4F00, v16;
	v17 =	vsel vm1, $0x5300, v17;
	vm1 =	vcmask $0x1F1C  }
0x2c: {  	v4 =	vsel vm1, $0x380, v4;
	v5 =	vsel vm1, $0x780, v5;
	v6 =	vsel vm1, $0xB80, v6  }
0x2d: {  	v7 =	vsel vm1, $0xF80, v7;
	v8 =	vsel vm1, $0x1380, v8;
	v9 =	vsel vm1, $0x1780, v9  }
0x2e: {  	v10 =	vsel vm1, $0x1B80, v10;
	v11 =	vsel vm1, $0x3B80, v11;
	v12 =	vsel vm1, $0x3F80, v12  }
0x2f: {  	v13 =	vsel vm1, $0x4380, v13;
	v14 =	vsel vm1, $0x4780, v14;
	v15 =	vsel vm1, $0x4B80, v15  }
0x30: {  	v16 =	vsel vm1, $0x4F80, v16;
	v17 =	vsel vm1, $0x5380, v17;
	vm1 =	vcmask $0x2320  }
0x31: {  	v4 =	vsel vm1, $0x1C00, v4;
	v5 =	vsel vm1, $0x2000, v5;
	v6 =	vsel vm1, $0x2400, v6  }
0x32: {  	v7 =	vsel vm1, $0x2800, v7;
	v8 =	vsel vm1, $0x2C00, v8;
	v9 =	vsel vm1, $0x3000, v9  }
0x33: {  	v10 =	vsel vm1, $0x3400, v10;
	v11 =	vsel vm1, $0x5400, v11;
	v12 =	vsel vm1, $0x5800, v12  }
0x34: {  	v13 =	vsel vm1, $0x5C00, v13;
	v14 =	vsel vm1, $0x6000, v14;
	v15 =	vsel vm1, $0x6400, v15  }
0x35: {  	v16 =	vsel vm1, $0x6800, v16;
	v17 =	vsel vm1, $0x6C00, v17;
	vm1 =	vcmask $0x2724  }
0x36: {  	v4 =	vsel vm1, $0x1C80, v4;
	v5 =	vsel vm1, $0x2080, v5;
	v6 =	vsel vm1, $0x2480, v6  }
0x37: {  	v7 =	vsel vm1, $0x2880, v7;
	v8 =	vsel vm1, $0x2C80, v8;
	v9 =	vsel vm1, $0x3080, v9  }
0x38: {  	v10 =	vsel vm1, $0x3480, v10;
	v11 =	vsel vm1, $0x5480, v11;
	v12 =	vsel vm1, $0x5880, v12  }
0x39: {  	v13 =	vsel vm1, $0x5C80, v13;
	v14 =	vsel vm1, $0x6080, v14;
	v15 =	vsel vm1, $0x6480, v15  }
0x3a: {  	v16 =	vsel vm1, $0x6880, v16;
	v17 =	vsel vm1, $0x6C80, v17;
	vm1 =	vcmask $0x2B28  }
0x3b: {  	v4 =	vsel vm1, $0x1D00, v4;
	v5 =	vsel vm1, $0x2100, v5;
	v6 =	vsel vm1, $0x2500, v6  }
0x3c: {  	v7 =	vsel vm1, $0x2900, v7;
	v8 =	vsel vm1, $0x2D00, v8;
	v9 =	vsel vm1, $0x3100, v9  }
0x3d: {  	v10 =	vsel vm1, $0x3500, v10;
	v11 =	vsel vm1, $0x5500, v11;
	v12 =	vsel vm1, $0x5900, v12  }
0x3e: {  	v13 =	vsel vm1, $0x5D00, v13;
	v14 =	vsel vm1, $0x6100, v14;
	v15 =	vsel vm1, $0x6500, v15  }
0x3f: {  	v16 =	vsel vm1, $0x6900, v16;
	v17 =	vsel vm1, $0x6D00, v17;
	vm1 =	vcmask $0x2F2C  }
0x40: {  	v4 =	vsel vm1, $0x1D80, v4;
	v5 =	vsel vm1, $0x2180, v5;
	v6 =	vsel vm1, $0x2580, v6  }
0x41: {  	v7 =	vsel vm1, $0x2980, v7;
	v8 =	vsel vm1, $0x2D80, v8;
	v9 =	vsel vm1, $0x3180, v9  }
0x42: {  	v10 =	vsel vm1, $0x3580, v10;
	v11 =	vsel vm1, $0x5580, v11;
	v12 =	vsel vm1, $0x5980, v12  }
0x43: {  	v13 =	vsel vm1, $0x5D80, v13;
	v14 =	vsel vm1, $0x6180, v14;
	v15 =	vsel vm1, $0x6580, v15  }
0x44: {  	v16 =	vsel vm1, $0x6980, v16;
	v17 =	vsel vm1, $0x6D80, v17;
	vm1 =	vcmask $0x3330  }
0x45: {  	s0 =	srdreg.scid;
	v4 =	vsel vm1, $0x1E00, v4;
	v5 =	vsel vm1, $0x2200, v5;
	v6 =	vsel vm1, $0x2600, v6  }
0x46: {  	s2 =	stileid.u32;
	s1 =	rddreg [dreg:$0x0];
	v7 =	vsel vm1, $0x2A00, v7;
	v8 =	vsel vm1, $0x2E00, v8;
	v9 =	vsel vm1, $0x3200, v9  }
0x47: {  	s7 =	rddreg [dreg:$0x2];
	s5 =	simm.s32 $0x0;
	s14 =	simm.s32 $0x700;
	v10 =	vsel vm1, $0x3600, v10;
	v11 =	vsel vm1, $0x5600, v11;
	v12 =	vsel vm1, $0x5A00, v12  }
0x48: {  	s15 =	simm.s32 $0x7700;
	s30 =	simm.s32 $0xDB00;
	s12 =	simm.s32 $0x1;
	v13 =	vsel vm1, $0x5E00, v13;
	v14 =	vsel vm1, $0x6200, v14;
	v15 =	vsel vm1, $0x6600, v15  }
0x49: {  	s13 =	simm.s32 $0x1C00;
	s16 =	simm.s32 $0x2000;
	s17 =	simm.s32 $0x400;
	v16 =	vsel vm1, $0x6A00, v16;
	v17 =	vsel vm1, $0x6E00, v17;
	vm1 =	vcmask $0x3734  }
0x4a: {  	s18 =	simm.s32 $0x3;
	s19 =	simm.s32 $0x2;
	s20 =	simm.s32 $0x4;
	v4 =	vsel vm1, $0x1E80, v4;
	v5 =	vsel vm1, $0x2280, v5;
	v6 =	vsel vm1, $0x2680, v6  }
0x4b: {  	s22 =	simm.s32 $0x0;
	s3 =	sshll.u32 s2, $0x1;
	s2 =	rddreg [dreg:$0x1];
	v7 =	vsel vm1, $0x2A80, v7;
	v8 =	vsel vm1, $0x2E80, v8;
	v9 =	vsel vm1, $0x3280, v9  }
0x4c: {  	s29 =	simm.s32 $0x20;
	s0 =	sand.u32 $0x1, s0;
	[smem:$0x7FF] =	sst s5;
	v10 =	vsel vm1, $0x3680, v10;
	v11 =	vsel vm1, $0x5680, v11;
	v12 =	vsel vm1, $0x5A80, v12  }
0x4d: {  	s6 =	sadd.s32 $0x1600, s7;
	s9 =	sadd.s32 $0x200, s1;
	s3 =	sor.u32 s0, s3;
	v13 =	vsel vm1, $0x5E80, v13;
	v14 =	vsel vm1, $0x6280, v14;
	v15 =	vsel vm1, $0x6680, v15  }
0x4e: {  	s10 =	sadd.s32 $0x300, s1;
	s0 =	ssub.s32 $0x2, s0;
	s4 =	smul.u32 $0x340, s3;
	v16 =	vsel vm1, $0x6A80, v16;
	v17 =	vsel vm1, $0x6E80, v17;
	vm1 =	vcmask $0x3B38  }
.Ltmp0:
0x4f: {  	s11 =	sadd.s32 $0x1980, s7;
	s8 =	sshrl.u32 s0, $0x1;
	v4 =	vsel vm1, $0x1F00, v4;
	v5 =	vsel vm1, $0x2300, v5;
	v6 =	vsel vm1, $0x2700, v6;
	(pc) =	sbr.rel .LBB2_1-.Ltmp0, $4  }
0x50: {  	_ =	strace $0x80000047;
	s0 =	ssub.s32 s0, s8;
	s3 =	sshrl.u32 s4, $0x3;
	v7 =	vsel vm1, $0x2B00, v7;
	v8 =	vsel vm1, $0x2F00, v8;
	v9 =	vsel vm1, $0x3300, v9  }
0x51: {  	s8 =	sadd.s32 $0x100, s1;
	s0 =	smax.u32 s0, $0x1;
	s3 =	sadd.s32 s3, s7;
	v10 =	vsel vm1, $0x3700, v10;
	v11 =	vsel vm1, $0x5700, v11;
	v12 =	vsel vm1, $0x5B00, v12  }
0x52: {  	[dreg:$0x5] =	wrdreg s0;
	s0 =	simm.s32 $0xE700;
	s3 =	sadd.s32 $0x800, s3;
	v13 =	vsel vm1, $0x5F00, v13;
	v14 =	vsel vm1, $0x6300, v14;
	v15 =	vsel vm1, $0x6700, v15  }
0x53: {  	s7 =	simm.s32 $0xF700;
	[dreg:$0x4] =	wrdreg s3;
	s3 =	simm.s32 $0xE300;
	v16 =	vsel vm1, $0x6B00, v16;
	v17 =	vsel vm1, $0x6F00, v17;
	vm1 =	vmmov $0xff  }
.LBB2_22:
0x54: {  	s22 =	rddreg [dreg:$0x6]  }
0x55: {  	s21 =	rddreg [dreg:$0x5];
	s22 =	sadd.s32 $0x1, s22  }
0x56: {  	p0 =	sne.s32 s22, s21  }
.Ltmp1:
0x57: {  	_ = 	snop;
	(pc) =	sbr.rel @!p0 .LBB2_23-.Ltmp1, $1  }
0x58: {  	_ =	sdelay $0x3  }
.LBB2_1:
0x59: {  	[dreg:$0x6] =	wrdreg s22  }
0x5a: {  	s21 =	rddreg [dreg:$0x4];
	s31 =	simm.s32 $0x5  }
0x5b: {  	[tilespmem:s5], [sflag:$0x5] =	stream.linear.gather [hbm4b:s21+s5], $0x340, $0x38;
	[tilespmem:$0x10700] =	vst v63  }
0x5c: {  	_ =	swait.ge [sflag:s31], $0x340  }
0x5d: {  	[sflag:s31] =	ssyncset.done $0x0  }
0x5e: {  	s21 =	simm.s32 $0x0;
	[sflag:s31] =	ssyncadd.s32 $0xFFFFFCC0  }
0x5f: {  	v21 =	vld [tilespmem:s21+$0x0];
	_ =	sdelay $0x2  }
0x60: {  	s22 =	simm.s32 $0x40;
	v23 =	vmul.u32 $0x3E8, v0;
	v22 =	vlaneseq.u32  }
.LBB2_2:
0x61: {  	p0 =	sne.s32 s22, $0xCC0  }
.Ltmp2:
0x62: {  	s23 =	sshra.s32 s22, $0x2;
	v23 =	vadd.s32 v23, v21;
	(pc) =	sbr.rel @p0 .LBB2_2-.Ltmp2, $4  }
0x63: {  	v21 =	vld [tilespmem:s23+$0x0];
	[tilespmem:s21+$0x380] =	vst v23;
	v23 =	vadd.s32 $0x10, v22;
	s21 =	smov.u32 s23  }
0x64: {  	s22 =	sadd.s32 $0x40, s22;
	v22 =	vadd.s32 $0xFFFFFFF6, v22;
	vm2 =	vgt.s32 v23, $0x19  }
0x65: {  	v22 =	vsel vm2, v22, v23  }
0x66: {  	v23 =	vmul.u32 $0x3E8, v22  }
0x67: {  	_ = 	snop  }
0x68: {  	v21 =	vadd.s32 v23, v21  }
0x69: {  	[tilespmem:s21+$0x380] =	vst v21  }
0x6a: {  	v21 =	vld [tilespmem:$0x380];
	_ =	sdelay $0x4  }
0x6b: {  	v22 =	vshll.u32 v21, $0x3  }
0x6c: {  	v21 =	vand.u32 $0x7, v21;
	v22 =	vand.u32 $0xFFFFFFC0, v22  }
0x6d: {  	v21 =	vor.u32 v21, v22  }
0x6e: {  	v22 =	vperm.xlane v21, v1;
	_ =	sdelay $0x1  }
0x6f: {  	v22 =	vadd.s32 v2, v22;
	_ =	sdelay $0x3  }
0x70: {  	s21 =	simm.s32 $0x0  }
0x71: {  	[tilespmem:s14], [sflag:$0x1] =	stream.indirect_vreg.gather [hbm4b:s1+s21], $0x80, v22, vm0, $0xb8;
	[tilespmem:$0x10700] =	vst v63  }
0x72: {  	s22 =	simm.s32 $0xF00;
	v21 =	vperm.xlane v21, v18  }
0x73: {  	[tilespmem:s22], [sflag:$0x1] =	stream.indirect_vreg.gather [hbm4b:s8+s21], $0x80, v22, vm0, $0xb8;
	[tilespmem:$0x10700] =	vst v63  }
0x74: {  	s28 =	simm.s32 $0x1700;
	v21 =	vadd.s32 v2, v21  }
0x75: {  	[tilespmem:s28], [sflag:$0x1] =	stream.indirect_vreg.gather [hbm4b:s9+s21], $0x80, v22, vm0, $0xb8;
	[tilespmem:$0x10700] =	vst v63  }
0x76: {  	s23 =	simm.s32 $0x1F00  }
0x77: {  	[tilespmem:s23], [sflag:$0x1] =	stream.indirect_vreg.gather [hbm4b:s10+s21], $0x80, v22, vm1, $0xb8;
	[tilespmem:$0x10700] =	vst v63  }
0x78: {  	s24 =	simm.s32 $0x2300  }
0x79: {  	[tilespmem:s24], [sflag:$0x1] =	stream.indirect_vreg.gather [hbm4b:s1+s21], $0x80, v21, vm0, $0xb8;
	[tilespmem:$0x10700] =	vst v63  }
0x7a: {  	s25 =	simm.s32 $0x2B00  }
0x7b: {  	[tilespmem:s25], [sflag:$0x1] =	stream.indirect_vreg.gather [hbm4b:s8+s21], $0x80, v21, vm0, $0xb8;
	[tilespmem:$0x10700] =	vst v63  }
0x7c: {  	s26 =	simm.s32 $0x3300  }
0x7d: {  	[tilespmem:s26], [sflag:$0x1] =	stream.indirect_vreg.gather [hbm4b:s9+s21], $0x80, v21, vm0, $0xb8;
	[tilespmem:$0x10700] =	vst v63  }
0x7e: {  	s28 =	simm.s32 $0x3B00  }
0x7f: {  	[tilespmem:s28], [sflag:$0x1] =	stream.indirect_vreg.gather [hbm4b:s10+s21], $0x80, v21, vm1, $0xb8;
	[tilespmem:$0x10700] =	vst v63  }
0x80: {  	v21 =	vld [tilespmem:$0x390];
	_ =	sdelay $0x4  }
0x81: {  	v22 =	vshll.u32 v21, $0x3  }
0x82: {  	v21 =	vand.u32 $0x7, v21;
	v22 =	vand.u32 $0xFFFFFFC0, v22  }
0x83: {  	v21 =	vor.u32 v21, v22  }
0x84: {  	v22 =	vperm.xlane v21, v1;
	_ =	sdelay $0x1  }
0x85: {  	v22 =	vadd.s32 v2, v22;
	_ =	sdelay $0x3  }
0x86: {  	s23 =	simm.s32 $0x3F00  }
0x87: {  	[tilespmem:s23], [sflag:$0x1] =	stream.indirect_vreg.gather [hbm4b:s1+s21], $0x80, v22, vm0, $0xb8;
	[tilespmem:$0x10700] =	vst v63  }
0x88: {  	s24 =	simm.s32 $0x4700;
	v21 =	vperm.xlane v21, v18  }
0x89: {  	[tilespmem:s24], [sflag:$0x1] =	stream.indirect_vreg.gather [hbm4b:s8+s21], $0x80, v22, vm0, $0xb8;
	[tilespmem:$0x10700] =	vst v63  }
0x8a: {  	s25 =	simm.s32 $0x4F00;
	v21 =	vadd.s32 v2, v21  }
0x8b: {  	[tilespmem:s25], [sflag:$0x1] =	stream.indirect_vreg.gather [hbm4b:s9+s21], $0x80, v22, vm0, $0xb8;
	[tilespmem:$0x10700] =	vst v63  }
0x8c: {  	s26 =	simm.s32 $0x5700  }
0x8d: {  	[tilespmem:s26], [sflag:$0x1] =	stream.indirect_vreg.gather [hbm4b:s10+s21], $0x80, v22, vm1, $0xb8;
	[tilespmem:$0x10700] =	vst v63  }
0x8e: {  	s28 =	simm.s32 $0x5B00  }
0x8f: {  	[tilespmem:s28], [sflag:$0x1] =	stream.indirect_vreg.gather [hbm4b:s1+s21], $0x80, v21, vm0, $0xb8;
	[tilespmem:$0x10700] =	vst v63  }
0x90: {  	s23 =	simm.s32 $0x6300  }
0x91: {  	[tilespmem:s23], [sflag:$0x1] =	stream.indirect_vreg.gather [hbm4b:s8+s21], $0x80, v21, vm0, $0xb8;
	[tilespmem:$0x10700] =	vst v63  }
0x92: {  	s24 =	simm.s32 $0x6B00  }
0x93: {  	[tilespmem:s24], [sflag:$0x1] =	stream.indirect_vreg.gather [hbm4b:s9+s21], $0x80, v21, vm0, $0xb8;
	[tilespmem:$0x10700] =	vst v63  }
0x94: {  	s25 =	simm.s32 $0x7300  }
0x95: {  	[tilespmem:s25], [sflag:$0x1] =	stream.indirect_vreg.gather [hbm4b:s10+s21], $0x80, v21, vm1, $0xb8;
	[tilespmem:$0x10700] =	vst v63  }
0x96: {  	s22 =	simm.s32 $0x20;
	s23 =	simm.s32 $0x380  }
0x97: {  	[tilespmem:s0], [sflag:$0x1] =	stream.indirect.gather [hbm4b:s2+s22], $0x80, s23, s22, $0xb8;
	[tilespmem:$0x10700] =	vst v63  }
0x98: {  	v21 =	vld [tilespmem:$0x3A0];
	_ =	sdelay $0x4  }
0x99: {  	v22 =	vshll.u32 v21, $0x3  }
0x9a: {  	v21 =	vand.u32 $0x7, v21;
	v22 =	vand.u32 $0xFFFFFFC0, v22  }
0x9b: {  	v21 =	vor.u32 v21, v22  }
0x9c: {  	v22 =	vperm.xlane v21, v1;
	_ =	sdelay $0x1  }
0x9d: {  	v22 =	vadd.s32 v2, v22;
	_ =	sdelay $0x4  }
0x9e: {  	[tilespmem:s15], [sflag:$0x2] =	stream.indirect_vreg.gather [hbm4b:s1+s21], $0x80, v22, vm0, $0xb8;
	[tilespmem:$0x10700] =	vst v63  }
0x9f: {  	s26 =	simm.s32 $0x7F00;
	v21 =	vperm.xlane v21, v18  }
0xa0: {  	[tilespmem:s26], [sflag:$0x2] =	stream.indirect_vreg.gather [hbm4b:s8+s21], $0x80, v22, vm0, $0xb8;
	[tilespmem:$0x10700] =	vst v63  }
0xa1: {  	s28 =	simm.s32 $0x8700;
	v21 =	vadd.s32 v2, v21  }
0xa2: {  	[tilespmem:s28], [sflag:$0x2] =	stream.indirect_vreg.gather [hbm4b:s9+s21], $0x80, v22, vm0, $0xb8;
	[tilespmem:$0x10700] =	vst v63  }
0xa3: {  	s24 =	simm.s32 $0x8F00  }
0xa4: {  	[tilespmem:s24], [sflag:$0x2] =	stream.indirect_vreg.gather [hbm4b:s10+s21], $0x80, v22, vm1, $0xb8;
	[tilespmem:$0x10700] =	vst v63  }
0xa5: {  	s25 =	simm.s32 $0x9300  }
0xa6: {  	[tilespmem:s25], [sflag:$0x2] =	stream.indirect_vreg.gather [hbm4b:s1+s21], $0x80, v21, vm0, $0xb8;
	[tilespmem:$0x10700] =	vst v63  }
0xa7: {  	s26 =	simm.s32 $0x9B00  }
0xa8: {  	[tilespmem:s26], [sflag:$0x2] =	stream.indirect_vreg.gather [hbm4b:s8+s21], $0x80, v21, vm0, $0xb8;
	[tilespmem:$0x10700] =	vst v63  }
0xa9: {  	s28 =	simm.s32 $0xA300  }
0xaa: {  	[tilespmem:s28], [sflag:$0x2] =	stream.indirect_vreg.gather [hbm4b:s9+s21], $0x80, v21, vm0, $0xb8;
	[tilespmem:$0x10700] =	vst v63  }
0xab: {  	s24 =	simm.s32 $0xAB00  }
0xac: {  	[tilespmem:s24], [sflag:$0x2] =	stream.indirect_vreg.gather [hbm4b:s10+s21], $0x80, v21, vm1, $0xb8;
	[tilespmem:$0x10700] =	vst v63  }
0xad: {  	v21 =	vld [tilespmem:$0x3B0];
	_ =	sdelay $0x4  }
0xae: {  	v22 =	vshll.u32 v21, $0x3  }
0xaf: {  	v21 =	vand.u32 $0x7, v21;
	v22 =	vand.u32 $0xFFFFFFC0, v22  }
0xb0: {  	v21 =	vor.u32 v21, v22  }
0xb1: {  	v22 =	vperm.xlane v21, v1;
	_ =	sdelay $0x1  }
0xb2: {  	v22 =	vadd.s32 v2, v22;
	_ =	sdelay $0x3  }
0xb3: {  	s25 =	simm.s32 $0xAF00  }
0xb4: {  	[tilespmem:s25], [sflag:$0x2] =	stream.indirect_vreg.gather [hbm4b:s1+s21], $0x80, v22, vm0, $0xb8;
	[tilespmem:$0x10700] =	vst v63  }
0xb5: {  	s26 =	simm.s32 $0xB700;
	v21 =	vperm.xlane v21, v18  }
0xb6: {  	[tilespmem:s26], [sflag:$0x2] =	stream.indirect_vreg.gather [hbm4b:s8+s21], $0x80, v22, vm0, $0xb8;
	[tilespmem:$0x10700] =	vst v63  }
0xb7: {  	s28 =	simm.s32 $0xBF00;
	v21 =	vadd.s32 v2, v21  }
0xb8: {  	[tilespmem:s28], [sflag:$0x2] =	stream.indirect_vreg.gather [hbm4b:s9+s21], $0x80, v22, vm0, $0xb8;
	[tilespmem:$0x10700] =	vst v63  }
0xb9: {  	s24 =	simm.s32 $0xC700  }
0xba: {  	[tilespmem:s24], [sflag:$0x2] =	stream.indirect_vreg.gather [hbm4b:s10+s21], $0x80, v22, vm1, $0xb8;
	[tilespmem:$0x10700] =	vst v63  }
0xbb: {  	s25 =	simm.s32 $0xCB00  }
0xbc: {  	[tilespmem:s25], [sflag:$0x2] =	stream.indirect_vreg.gather [hbm4b:s1+s21], $0x80, v21, vm0, $0xb8;
	[tilespmem:$0x10700] =	vst v63  }
0xbd: {  	s26 =	simm.s32 $0xD300  }
0xbe: {  	[tilespmem:s26], [sflag:$0x2] =	stream.indirect_vreg.gather [hbm4b:s8+s21], $0x80, v21, vm0, $0xb8;
	[tilespmem:$0x10700] =	vst v63  }
0xbf: {  	_ = 	snop  }
0xc0: {  	[tilespmem:s30], [sflag:$0x2] =	stream.indirect_vreg.gather [hbm4b:s9+s21], $0x80, v21, vm0, $0xb8;
	[tilespmem:$0x10700] =	vst v63  }
0xc1: {  	_ = 	snop  }
0xc2: {  	[tilespmem:s3], [sflag:$0x2] =	stream.indirect_vreg.gather [hbm4b:s10+s21], $0x80, v21, vm1, $0xb8;
	[tilespmem:$0x10700] =	vst v63  }
0xc3: {  	s31 =	simm.s32 $0x0;
	s28 =	simm.s32 $0x3A0  }
0xc4: {  	[tilespmem:s7], [sflag:$0x2] =	stream.indirect.gather [hbm4b:s2+s22], $0x80, s28, s22, $0xb8;
	[tilespmem:$0x10700] =	vst v63  }
.LBB2_4:
0xc5: {  	_ =	swait.ge [sflag:s12], $0x7000  }
0xc6: {  	[sflag:s12] =	ssyncset.done $0x0  }
0xc7: {  	[sflag:s12] =	ssyncadd.s32 $0xFFFF9000  }
0xc8: {  	_ =	swait.ge [sflag:s12], $0x1000  }
0xc9: {  	[sflag:s12] =	ssyncset.done $0x0  }
0xca: {  	s22 =	sshll.u32 s31, $0x6;
	[sflag:s12] =	ssyncadd.s32 $0xFFFFF000  }
0xcb: {  	v21 =	vld [tilespmem:s22+$0x0];
	_ =	sdelay $0x4  }
0xcc: {  	v22 =	vxor.u32 $0x80000000, v21  }
0xcd: {  	(xrf0) =	vmin.scan.msk.u32 $0xffff, v22;
	_ =	sdelay $0x5  }
0xce: {  	v22, _, _ =	vpop (xrf0)  }
0xcf: {  	(v2sf) =	vpush v22, $0xF;
	_ =	sdelay $0xe  }
0xd0: {  	s23 =	spop (v2sf)  }
0xd1: {  	p0 =	sne.s32 s23, $0x80000000  }
.Ltmp3:
0xd2: {  	_ = 	snop;
	(pc) =	sbr.rel @p0 .LBB2_8-.Ltmp3, $1  }
0xd3: {  	_ =	sdelay $0x3  }
0xd4: {  	vm2 =	veq.s32 v21, $0x0  }
0xd5: {  	v25 =	vor.u32 s21, v3  }
0xd6: {  	v26 =	vor.u32 s21, v4  }
0xd7: {  	v24 =	vor.u32 s21, v5;
	vm3 =	vmmov vm2  }
0xd8: {  	v23 =	vor.u32 s21, v6;
	vm4 =	vmmov vm2  }
0xd9: {  	v22 =	vor.u32 s21, v7;
	vm5 =	vmmov vm2  }
0xda: {  	[tilespmem:v25+s0+$0x0] =	vst.idx.msk vm2, v19;
	v25 =	vor.u32 s21, v8  }
0xdb: {  	v21 =	vor.u32 s21, v10;
	s23 =	simm.s32 $0x1;
	[tilespmem:v26+s14+$0x0] =	vst.idx.msk vm2, v19;
	v26 =	vor.u32 s21, v9  }
.LBB2_6:
0xdc: {  	v27 =	vor.u32 s23, v10;
	p0 =	sne.s32 s23, $0x7F;
	[tilespmem:v24+s14+$0x0] =	vst.idx.msk vm2, v19;
	s24 =	smov.u32 s23;
	s23 =	sadd.s32 $0x1, s23  }
0xdd: {  	v28 =	vor.u32 s24, v3;
	[tilespmem:v23+s14+$0x0] =	vst.idx.msk vm3, v19;
	vm3 =	vmmov vm2  }
0xde: {  	v29 =	vor.u32 s24, v4;
	[tilespmem:v22+s14+$0x0] =	vst.idx.msk vm4, v19;
	vm4 =	vmmov vm2  }
.Ltmp4:
0xdf: {  	v24 =	vor.u32 s24, v5;
	[tilespmem:v25+s14+$0x0] =	vst.idx.msk vm5, v19;
	(pc) =	sbr.rel @p0 .LBB2_6-.Ltmp4, $4  }
0xe0: {  	v23 =	vor.u32 s24, v6;
	[tilespmem:v26+s14+$0x0] =	vst.idx.msk vm5, v19  }
0xe1: {  	v22 =	vor.u32 s24, v7;
	[tilespmem:v21+s14+$0x0] =	vst.idx.msk vm5, v19;
	v21 =	vmov v27;
	vm5 =	vmmov vm2  }
0xe2: {  	v25 =	vor.u32 s24, v8;
	[tilespmem:v28+s0+$0x0] =	vst.idx.msk vm2, v19  }
0xe3: {  	v26 =	vor.u32 s24, v9;
	[tilespmem:v29+s14+$0x0] =	vst.idx.msk vm2, v19  }
0xe4: {  	_ =	sdelay $0x4  }
0xe5: {  	[tilespmem:v24+s14+$0x0] =	vst.idx.msk vm2, v19  }
0xe6: {  	[tilespmem:v23+s14+$0x0] =	vst.idx.msk vm3, v19  }
0xe7: {  	[tilespmem:v22+s14+$0x0] =	vst.idx.msk vm4, v19  }
0xe8: {  	[tilespmem:v25+s14+$0x0] =	vst.idx.msk vm5, v19  }
0xe9: {  	[tilespmem:v26+s14+$0x0] =	vst.idx.msk vm5, v19  }
0xea: {  	[tilespmem:v21+s14+$0x0] =	vst.idx.msk vm5, v19  }
.LBB2_8:
0xeb: {  	v21 =	vld [tilespmem:s22+$0x10];
	_ =	sdelay $0x4  }
0xec: {  	v22 =	vxor.u32 $0x80000000, v21  }
0xed: {  	(xrf0) =	vmin.scan.msk.u32 $0xffff, v22;
	_ =	sdelay $0x5  }
0xee: {  	v22, _, _ =	vpop (xrf0)  }
0xef: {  	(v2sf) =	vpush v22, $0xF;
	_ =	sdelay $0xe  }
0xf0: {  	s23 =	spop (v2sf)  }
0xf1: {  	p0 =	sne.s32 s23, $0x80000000  }
.Ltmp5:
0xf2: {  	_ = 	snop;
	(pc) =	sbr.rel @p0 .LBB2_12-.Ltmp5, $2  }
0xf3: {  	_ =	sdelay $0x2  }
0xf4: {  	s24 =	simm.s32 $0x0  }
0xf5: {  	vm2 =	veq.s32 v21, $0x0  }
0xf6: {  	v25 =	vor.u32 s24, v20  }
0xf7: {  	v26 =	vor.u32 s24, v11  }
0xf8: {  	v24 =	vor.u32 s24, v12;
	vm3 =	vmmov vm2  }
0xf9: {  	v23 =	vor.u32 s24, v13;
	vm4 =	vmmov vm2  }
0xfa: {  	v22 =	vor.u32 s24, v14;
	vm5 =	vmmov vm2  }
0xfb: {  	[tilespmem:v25+s0+$0x0] =	vst.idx.msk vm2, v19;
	v25 =	vor.u32 s24, v15  }
0xfc: {  	v21 =	vor.u32 s24, v17;
	s23 =	simm.s32 $0x1;
	[tilespmem:v26+s14+$0x0] =	vst.idx.msk vm2, v19;
	v26 =	vor.u32 s24, v16  }
.LBB2_10:
0xfd: {  	v27 =	vor.u32 s23, v17;
	p0 =	sne.s32 s23, $0x7F;
	[tilespmem:v24+s14+$0x0] =	vst.idx.msk vm2, v19;
	s25 =	smov.u32 s23;
	s23 =	sadd.s32 $0x1, s23  }
0xfe: {  	v28 =	vor.u32 s25, v20;
	[tilespmem:v23+s14+$0x0] =	vst.idx.msk vm3, v19;
	vm3 =	vmmov vm2  }
0xff: {  	v29 =	vor.u32 s25, v11;
	[tilespmem:v22+s14+$0x0] =	vst.idx.msk vm4, v19;
	vm4 =	vmmov vm2  }
.Ltmp6:
0x100: {  	v24 =	vor.u32 s25, v12;
	[tilespmem:v25+s14+$0x0] =	vst.idx.msk vm5, v19;
	(pc) =	sbr.rel @p0 .LBB2_10-.Ltmp6, $4  }
0x101: {  	v23 =	vor.u32 s25, v13;
	[tilespmem:v26+s14+$0x0] =	vst.idx.msk vm5, v19  }
0x102: {  	v22 =	vor.u32 s25, v14;
	[tilespmem:v21+s14+$0x0] =	vst.idx.msk vm5, v19;
	v21 =	vmov v27;
	vm5 =	vmmov vm2  }
0x103: {  	v25 =	vor.u32 s25, v15;
	[tilespmem:v28+s0+$0x0] =	vst.idx.msk vm2, v19  }
0x104: {  	v26 =	vor.u32 s25, v16;
	[tilespmem:v29+s14+$0x0] =	vst.idx.msk vm2, v19  }
0x105: {  	_ =	sdelay $0x4  }
0x106: {  	[tilespmem:v24+s14+$0x0] =	vst.idx.msk vm2, v19  }
0x107: {  	[tilespmem:v23+s14+$0x0] =	vst.idx.msk vm3, v19  }
0x108: {  	[tilespmem:v22+s14+$0x0] =	vst.idx.msk vm4, v19  }
0x109: {  	[tilespmem:v25+s14+$0x0] =	vst.idx.msk vm5, v19  }
0x10a: {  	[tilespmem:v26+s14+$0x0] =	vst.idx.msk vm5, v19  }
0x10b: {  	[tilespmem:v21+s14+$0x0] =	vst.idx.msk vm5, v19  }
.LBB2_12:
0x10c: {  	s23 =	sadd.s32 s4, s22  }
0x10d: {  	s23 =	sshll.u32 s23, $0x7  }
0x10e: {  	s25 =	sadd.s32 s6, s23  }
0x10f: {  	[hbm4b:s25+s13] =	stream.strided.scatter [tilespmem:s14], [sflag:$0x3], $0x7000, s16, s13, $0x38;
	[tilespmem:$0x10700] =	vst v63  }
0x110: {  	s23 =	sadd.s32 s23, s11  }
0x111: {  	[hbm4b:s23+s17] =	stream.strided.scatter [tilespmem:s0], [sflag:$0x3], $0x1000, s16, s17, $0x38;
	[tilespmem:$0x10700] =	vst v63  }
0x112: {  	_ =	swait.ge [sflag:s18], $0x7000  }
0x113: {  	[sflag:s18] =	ssyncset.done $0x0  }
0x114: {  	[sflag:s18] =	ssyncadd.s32 $0xFFFF9000  }
0x115: {  	_ =	swait.ge [sflag:s18], $0x1000  }
0x116: {  	p0 =	seq.s32 s31, $0xC;
	s23 =	sshll.u32 s31, $0x8;
	[sflag:s18] =	ssyncset.done $0x0  }
0x117: {  	s25 =	sshrl.u32 @!p0 s23, $0x2;
	[sflag:s18] =	ssyncadd.s32 $0xFFFFF000  }
0x118: {  	v21 =	vld @!p0 [tilespmem:s25+$0x3C0];
	_ =	sdelay $0x4  }
0x119: {  	v22 =	vshll.u32 @!p0 v21, $0x3  }
0x11a: {  	v23 =	vlaneseq.u32 @!p0;
	v21 =	vand.u32 @!p0 $0x7, v21;
	v22 =	vand.u32 @!p0 $0xFFFFFFC0, v22  }
0x11b: {  	v24 =	vshrl.u32 @!p0 v23, $0x3;
	v21 =	vor.u32 @!p0 v21, v22;
	v22 =	vand.u32 @!p0 $0x7, v23  }
0x11c: {  	v24 =	vmul.u32 @!p0 $0x8, v24;
	v25 =	vperm.xlane @!p0 v21, v22;
	_ =	sdelay $0x1  }
0x11d: {  	v25 =	vadd.s32 @!p0 v24, v25;
	_ =	sdelay $0x3  }
0x11e: {  	vm2 =	vmmov @!p0 $0xffff;
	s26 =	simm.s32 @!p0 $0x0;
	s28 =	simm.s32 @!p0 $0x700  }
0x11f: {  	v23 =	vor.u32 @!p0 $0x8, v23;
	[tilespmem:s28], [sflag:$0x1] =	stream.indirect_vreg.gather @!p0 [hbm4b:s1+s26], $0x80, v25, vm2, $0xb8;
	[tilespmem:$0x10700] =	vst v63  }
0x120: {  	v21 =	vperm.xlane @!p0 v21, v23;
	s28 =	simm.s32 @!p0 $0xF00  }
0x121: {  	[tilespmem:s28], [sflag:$0x1] =	stream.indirect_vreg.gather @!p0 [hbm4b:s8+s26], $0x80, v25, vm2, $0xb8;
	[tilespmem:$0x10700] =	vst v63  }
0x122: {  	v21 =	vadd.s32 @!p0 v24, v21;
	s28 =	simm.s32 @!p0 $0x1700  }
0x123: {  	[tilespmem:s28], [sflag:$0x1] =	stream.indirect_vreg.gather @!p0 [hbm4b:s9+s26], $0x80, v25, vm2, $0xb8;
	[tilespmem:$0x10700] =	vst v63  }
0x124: {  	vm3 =	vmmov @!p0 $0xff;
	s28 =	simm.s32 @!p0 $0x1F00  }
0x125: {  	[tilespmem:s28], [sflag:$0x1] =	stream.indirect_vreg.gather @!p0 [hbm4b:s10+s26], $0x80, v25, vm3, $0xb8;
	[tilespmem:$0x10700] =	vst v63  }
0x126: {  	s28 =	simm.s32 @!p0 $0x2300  }
0x127: {  	[tilespmem:s28], [sflag:$0x1] =	stream.indirect_vreg.gather @!p0 [hbm4b:s1+s26], $0x80, v21, vm2, $0xb8;
	[tilespmem:$0x10700] =	vst v63  }
0x128: {  	s28 =	simm.s32 @!p0 $0x2B00  }
0x129: {  	[tilespmem:s28], [sflag:$0x1] =	stream.indirect_vreg.gather @!p0 [hbm4b:s8+s26], $0x80, v21, vm2, $0xb8;
	[tilespmem:$0x10700] =	vst v63  }
0x12a: {  	s28 =	simm.s32 @!p0 $0x3300  }
0x12b: {  	[tilespmem:s28], [sflag:$0x1] =	stream.indirect_vreg.gather @!p0 [hbm4b:s9+s26], $0x80, v21, vm2, $0xb8;
	[tilespmem:$0x10700] =	vst v63  }
0x12c: {  	s28 =	simm.s32 @!p0 $0x3B00  }
0x12d: {  	[tilespmem:s28], [sflag:$0x1] =	stream.indirect_vreg.gather @!p0 [hbm4b:s10+s26], $0x80, v21, vm3, $0xb8;
	[tilespmem:$0x10700] =	vst v63  }
0x12e: {  	v21 =	vld @!p0 [tilespmem:s25+$0x3D0];
	_ =	sdelay $0x4  }
0x12f: {  	v25 =	vshll.u32 @!p0 v21, $0x3  }
0x130: {  	v21 =	vand.u32 @!p0 $0x7, v21;
	v25 =	vand.u32 @!p0 $0xFFFFFFC0, v25  }
0x131: {  	v21 =	vor.u32 @!p0 v21, v25  }
0x132: {  	v22 =	vperm.xlane @!p0 v21, v22;
	_ =	sdelay $0x1  }
0x133: {  	v22 =	vadd.s32 @!p0 v24, v22;
	_ =	sdelay $0x3  }
0x134: {  	s28 =	simm.s32 @!p0 $0x3F00  }
0x135: {  	[tilespmem:s28], [sflag:$0x1] =	stream.indirect_vreg.gather @!p0 [hbm4b:s1+s26], $0x80, v22, vm2, $0xb8;
	[tilespmem:$0x10700] =	vst v63  }
0x136: {  	v21 =	vperm.xlane @!p0 v21, v23;
	s28 =	simm.s32 @!p0 $0x4700  }
0x137: {  	[tilespmem:s28], [sflag:$0x1] =	stream.indirect_vreg.gather @!p0 [hbm4b:s8+s26], $0x80, v22, vm2, $0xb8;
	[tilespmem:$0x10700] =	vst v63  }
0x138: {  	v21 =	vadd.s32 @!p0 v24, v21;
	s28 =	simm.s32 @!p0 $0x4F00  }
0x139: {  	[tilespmem:s28], [sflag:$0x1] =	stream.indirect_vreg.gather @!p0 [hbm4b:s9+s26], $0x80, v22, vm2, $0xb8;
	[tilespmem:$0x10700] =	vst v63  }
0x13a: {  	s28 =	simm.s32 @!p0 $0x5700  }
0x13b: {  	[tilespmem:s28], [sflag:$0x1] =	stream.indirect_vreg.gather @!p0 [hbm4b:s10+s26], $0x80, v22, vm3, $0xb8;
	[tilespmem:$0x10700] =	vst v63  }
0x13c: {  	s28 =	simm.s32 @!p0 $0x5B00  }
0x13d: {  	[tilespmem:s28], [sflag:$0x1] =	stream.indirect_vreg.gather @!p0 [hbm4b:s1+s26], $0x80, v21, vm2, $0xb8;
	[tilespmem:$0x10700] =	vst v63  }
0x13e: {  	s28 =	simm.s32 @!p0 $0x6300  }
0x13f: {  	[tilespmem:s28], [sflag:$0x1] =	stream.indirect_vreg.gather @!p0 [hbm4b:s8+s26], $0x80, v21, vm2, $0xb8;
	[tilespmem:$0x10700] =	vst v63  }
0x140: {  	s28 =	simm.s32 @!p0 $0x6B00  }
0x141: {  	[tilespmem:s28], [sflag:$0x1] =	stream.indirect_vreg.gather @!p0 [hbm4b:s9+s26], $0x80, v21, vm2, $0xb8;
	[tilespmem:$0x10700] =	vst v63  }
0x142: {  	s28 =	simm.s32 @!p0 $0x7300  }
0x143: {  	[tilespmem:s28], [sflag:$0x1] =	stream.indirect_vreg.gather @!p0 [hbm4b:s10+s26], $0x80, v21, vm3, $0xb8;
	[tilespmem:$0x10700] =	vst v63  }
0x144: {  	s25 =	sadd.s32 @!p0 $0x3C0, s25;
	s26 =	simm.s32 @!p0 $0x20;
	s28 =	simm.s32 @!p0 $0xE700  }
0x145: {  	[tilespmem:s28], [sflag:$0x1] =	stream.indirect.gather @!p0 [hbm4b:s2+s26], $0x80, s25, s26, $0xb8;
	[tilespmem:$0x10700] =	vst v63  }
0x146: {  	_ =	swait.ge [sflag:s19], $0x7000  }
0x147: {  	[sflag:s19] =	ssyncset.done $0x0  }
0x148: {  	[sflag:s19] =	ssyncadd.s32 $0xFFFF9000  }
0x149: {  	_ =	swait.ge [sflag:s19], $0x1000  }
0x14a: {  	[sflag:s19] =	ssyncset.done $0x0  }
0x14b: {  	s25 =	sor.u32 $0x20, s22;
	[sflag:s19] =	ssyncadd.s32 $0xFFFFF000  }
0x14c: {  	v21 =	vld [tilespmem:s25+$0x0];
	_ =	sdelay $0x4  }
0x14d: {  	v22 =	vxor.u32 $0x80000000, v21  }
0x14e: {  	(xrf0) =	vmin.scan.msk.u32 $0xffff, v22;
	_ =	sdelay $0x5  }
0x14f: {  	v22, _, _ =	vpop (xrf0)  }
0x150: {  	(v2sf) =	vpush v22, $0xF;
	_ =	sdelay $0xe  }
0x151: {  	s28 =	spop (v2sf)  }
0x152: {  	p1 =	sne.s32 s28, $0x80000000  }
.Ltmp7:
0x153: {  	_ = 	snop;
	(pc) =	sbr.rel @p1 .LBB2_16-.Ltmp7, $1  }
0x154: {  	_ =	sdelay $0x3  }
0x155: {  	vm2 =	veq.s32 v21, $0x0  }
0x156: {  	v25 =	vor.u32 s24, v3  }
0x157: {  	v26 =	vor.u32 s24, v4  }
0x158: {  	v24 =	vor.u32 s24, v5;
	vm3 =	vmmov vm2  }
0x159: {  	v23 =	vor.u32 s24, v6;
	vm4 =	vmmov vm2  }
0x15a: {  	v22 =	vor.u32 s24, v7;
	vm5 =	vmmov vm2  }
0x15b: {  	[tilespmem:v25+s7+$0x0] =	vst.idx.msk vm2, v19;
	v25 =	vor.u32 s24, v8  }
0x15c: {  	v21 =	vor.u32 s24, v10;
	s26 =	simm.s32 $0x1;
	[tilespmem:v26+s15+$0x0] =	vst.idx.msk vm2, v19;
	v26 =	vor.u32 s24, v9  }
.LBB2_14:
0x15d: {  	v27 =	vor.u32 s26, v10;
	p1 =	sne.s32 s26, $0x7F;
	[tilespmem:v24+s15+$0x0] =	vst.idx.msk vm2, v19;
	s24 =	smov.u32 s26;
	s26 =	sadd.s32 $0x1, s26  }
0x15e: {  	v28 =	vor.u32 s24, v3;
	[tilespmem:v23+s15+$0x0] =	vst.idx.msk vm3, v19;
	vm3 =	vmmov vm2  }
0x15f: {  	v29 =	vor.u32 s24, v4;
	[tilespmem:v22+s15+$0x0] =	vst.idx.msk vm4, v19;
	vm4 =	vmmov vm2  }
.Ltmp8:
0x160: {  	v24 =	vor.u32 s24, v5;
	[tilespmem:v25+s15+$0x0] =	vst.idx.msk vm5, v19;
	(pc) =	sbr.rel @p1 .LBB2_14-.Ltmp8, $4  }
0x161: {  	v23 =	vor.u32 s24, v6;
	[tilespmem:v26+s15+$0x0] =	vst.idx.msk vm5, v19  }
0x162: {  	v22 =	vor.u32 s24, v7;
	[tilespmem:v21+s15+$0x0] =	vst.idx.msk vm5, v19;
	v21 =	vmov v27;
	vm5 =	vmmov vm2  }
0x163: {  	v25 =	vor.u32 s24, v8;
	[tilespmem:v28+s7+$0x0] =	vst.idx.msk vm2, v19  }
0x164: {  	v26 =	vor.u32 s24, v9;
	[tilespmem:v29+s15+$0x0] =	vst.idx.msk vm2, v19  }
0x165: {  	_ =	sdelay $0x4  }
0x166: {  	[tilespmem:v24+s15+$0x0] =	vst.idx.msk vm2, v19  }
0x167: {  	[tilespmem:v23+s15+$0x0] =	vst.idx.msk vm3, v19  }
0x168: {  	[tilespmem:v22+s15+$0x0] =	vst.idx.msk vm4, v19  }
0x169: {  	[tilespmem:v25+s15+$0x0] =	vst.idx.msk vm5, v19  }
0x16a: {  	[tilespmem:v26+s15+$0x0] =	vst.idx.msk vm5, v19  }
0x16b: {  	[tilespmem:v21+s15+$0x0] =	vst.idx.msk vm5, v19  }
.LBB2_16:
0x16c: {  	v21 =	vld [tilespmem:s22+$0x30];
	_ =	sdelay $0x4  }
0x16d: {  	v22 =	vxor.u32 $0x80000000, v21  }
0x16e: {  	(xrf0) =	vmin.scan.msk.u32 $0xffff, v22;
	_ =	sdelay $0x5  }
0x16f: {  	v22, _, _ =	vpop (xrf0)  }
0x170: {  	(v2sf) =	vpush v22, $0xF;
	_ =	sdelay $0xe  }
0x171: {  	s28 =	spop (v2sf)  }
0x172: {  	p1 =	sne.s32 s28, $0x80000000  }
.Ltmp9:
0x173: {  	_ = 	snop;
	(pc) =	sbr.rel @p1 .LBB2_20-.Ltmp9, $2  }
0x174: {  	_ =	sdelay $0x2  }
0x175: {  	s24 =	simm.s32 $0x0  }
0x176: {  	vm2 =	veq.s32 v21, $0x0  }
0x177: {  	v25 =	vor.u32 s24, v20  }
0x178: {  	v26 =	vor.u32 s24, v11  }
0x179: {  	v24 =	vor.u32 s24, v12;
	vm3 =	vmmov vm2  }
0x17a: {  	v23 =	vor.u32 s24, v13;
	vm4 =	vmmov vm2  }
0x17b: {  	v22 =	vor.u32 s24, v14;
	vm5 =	vmmov vm2  }
0x17c: {  	[tilespmem:v25+s7+$0x0] =	vst.idx.msk vm2, v19;
	v25 =	vor.u32 s24, v15  }
0x17d: {  	v21 =	vor.u32 s24, v17;
	s22 =	simm.s32 $0x1;
	[tilespmem:v26+s15+$0x0] =	vst.idx.msk vm2, v19;
	v26 =	vor.u32 s24, v16  }
.LBB2_18:
0x17e: {  	v27 =	vor.u32 s22, v17;
	p1 =	sne.s32 s22, $0x7F;
	[tilespmem:v24+s15+$0x0] =	vst.idx.msk vm2, v19;
	s24 =	smov.u32 s22;
	s22 =	sadd.s32 $0x1, s22  }
0x17f: {  	v28 =	vor.u32 s24, v20;
	[tilespmem:v23+s15+$0x0] =	vst.idx.msk vm3, v19;
	vm3 =	vmmov vm2  }
0x180: {  	v29 =	vor.u32 s24, v11;
	[tilespmem:v22+s15+$0x0] =	vst.idx.msk vm4, v19;
	vm4 =	vmmov vm2  }
.Ltmp10:
0x181: {  	v24 =	vor.u32 s24, v12;
	[tilespmem:v25+s15+$0x0] =	vst.idx.msk vm5, v19;
	(pc) =	sbr.rel @p1 .LBB2_18-.Ltmp10, $4  }
0x182: {  	v23 =	vor.u32 s24, v13;
	[tilespmem:v26+s15+$0x0] =	vst.idx.msk vm5, v19  }
0x183: {  	v22 =	vor.u32 s24, v14;
	[tilespmem:v21+s15+$0x0] =	vst.idx.msk vm5, v19;
	v21 =	vmov v27;
	vm5 =	vmmov vm2  }
0x184: {  	v25 =	vor.u32 s24, v15;
	[tilespmem:v28+s7+$0x0] =	vst.idx.msk vm2, v19  }
0x185: {  	v26 =	vor.u32 s24, v16;
	[tilespmem:v29+s15+$0x0] =	vst.idx.msk vm2, v19  }
0x186: {  	_ =	sdelay $0x4  }
0x187: {  	[tilespmem:v24+s15+$0x0] =	vst.idx.msk vm2, v19  }
0x188: {  	[tilespmem:v23+s15+$0x0] =	vst.idx.msk vm3, v19  }
0x189: {  	[tilespmem:v22+s15+$0x0] =	vst.idx.msk vm4, v19  }
0x18a: {  	[tilespmem:v25+s15+$0x0] =	vst.idx.msk vm5, v19  }
0x18b: {  	[tilespmem:v26+s15+$0x0] =	vst.idx.msk vm5, v19  }
0x18c: {  	[tilespmem:v21+s15+$0x0] =	vst.idx.msk vm5, v19  }
.LBB2_20:
0x18d: {  	s22 =	sadd.s32 s4, s25  }
0x18e: {  	s22 =	sshll.u32 s22, $0x7  }
0x18f: {  	s24 =	sadd.s32 s6, s22  }
0x190: {  	[hbm4b:s24+s13] =	stream.strided.scatter [tilespmem:s15], [sflag:$0x4], $0x7000, s16, s13, $0x38;
	[tilespmem:$0x10700] =	vst v63  }
0x191: {  	s22 =	sadd.s32 s22, s11  }
0x192: {  	[hbm4b:s22+s17] =	stream.strided.scatter [tilespmem:s7], [sflag:$0x4], $0x1000, s16, s17, $0x38;
	[tilespmem:$0x10700] =	vst v63  }
0x193: {  	_ =	swait.ge [sflag:s20], $0x7000  }
.Ltmp11:
0x194: {  	[sflag:s20] =	ssyncset.done $0x0;
	(pc) =	sbr.rel @p0 .LBB2_22-.Ltmp11, $4  }
0x195: {  	[sflag:s20] =	ssyncadd.s32 $0xFFFF9000  }
0x196: {  	_ =	swait.ge [sflag:s20], $0x1000  }
0x197: {  	[sflag:s20] =	ssyncset.done $0x0  }
0x198: {  	[sflag:s20] =	ssyncadd.s32 $0xFFFFF000  }
0x199: {  	s22 =	sshrl.u32 s23, $0x2  }
0x19a: {  	v21 =	vld [tilespmem:s22+$0x3E0];
	_ =	sdelay $0x4  }
0x19b: {  	v22 =	vshll.u32 v21, $0x3  }
0x19c: {  	v21 =	vand.u32 $0x7, v21;
	v22 =	vand.u32 $0xFFFFFFC0, v22  }
0x19d: {  	v21 =	vor.u32 v21, v22  }
0x19e: {  	v22 =	vperm.xlane v21, v1;
	_ =	sdelay $0x1  }
0x19f: {  	v22 =	vadd.s32 v2, v22;
	_ =	sdelay $0x4  }
0x1a0: {  	[tilespmem:s15], [sflag:$0x2] =	stream.indirect_vreg.gather [hbm4b:s1+s5], $0x80, v22, vm0, $0xb8;
	[tilespmem:$0x10700] =	vst v63  }
0x1a1: {  	s28 =	simm.s32 $0x7F00;
	v21 =	vperm.xlane v21, v18  }
0x1a2: {  	[tilespmem:s28], [sflag:$0x2] =	stream.indirect_vreg.gather [hbm4b:s8+s5], $0x80, v22, vm0, $0xb8;
	[tilespmem:$0x10700] =	vst v63  }
0x1a3: {  	s24 =	simm.s32 $0x8700;
	v21 =	vadd.s32 v2, v21  }
0x1a4: {  	[tilespmem:s24], [sflag:$0x2] =	stream.indirect_vreg.gather [hbm4b:s9+s5], $0x80, v22, vm0, $0xb8;
	[tilespmem:$0x10700] =	vst v63  }
0x1a5: {  	s25 =	simm.s32 $0x8F00  }
0x1a6: {  	[tilespmem:s25], [sflag:$0x2] =	stream.indirect_vreg.gather [hbm4b:s10+s5], $0x80, v22, vm1, $0xb8;
	[tilespmem:$0x10700] =	vst v63  }
0x1a7: {  	s26 =	simm.s32 $0x9300  }
0x1a8: {  	[tilespmem:s26], [sflag:$0x2] =	stream.indirect_vreg.gather [hbm4b:s1+s5], $0x80, v21, vm0, $0xb8;
	[tilespmem:$0x10700] =	vst v63  }
0x1a9: {  	s28 =	simm.s32 $0x9B00  }
0x1aa: {  	[tilespmem:s28], [sflag:$0x2] =	stream.indirect_vreg.gather [hbm4b:s8+s5], $0x80, v21, vm0, $0xb8;
	[tilespmem:$0x10700] =	vst v63  }
0x1ab: {  	s24 =	simm.s32 $0xA300  }
0x1ac: {  	[tilespmem:s24], [sflag:$0x2] =	stream.indirect_vreg.gather [hbm4b:s9+s5], $0x80, v21, vm0, $0xb8;
	[tilespmem:$0x10700] =	vst v63  }
0x1ad: {  	s25 =	simm.s32 $0xAB00  }
0x1ae: {  	[tilespmem:s25], [sflag:$0x2] =	stream.indirect_vreg.gather [hbm4b:s10+s5], $0x80, v21, vm1, $0xb8;
	[tilespmem:$0x10700] =	vst v63  }
0x1af: {  	v21 =	vld [tilespmem:s22+$0x3F0];
	_ =	sdelay $0x4  }
0x1b0: {  	v22 =	vshll.u32 v21, $0x3  }
0x1b1: {  	v21 =	vand.u32 $0x7, v21;
	v22 =	vand.u32 $0xFFFFFFC0, v22  }
0x1b2: {  	v21 =	vor.u32 v21, v22  }
0x1b3: {  	v22 =	vperm.xlane v21, v1;
	_ =	sdelay $0x1  }
0x1b4: {  	v22 =	vadd.s32 v2, v22;
	_ =	sdelay $0x3  }
0x1b5: {  	s26 =	simm.s32 $0xAF00  }
0x1b6: {  	[tilespmem:s26], [sflag:$0x2] =	stream.indirect_vreg.gather [hbm4b:s1+s5], $0x80, v22, vm0, $0xb8;
	[tilespmem:$0x10700] =	vst v63  }
0x1b7: {  	s28 =	simm.s32 $0xB700;
	v21 =	vperm.xlane v21, v18  }
0x1b8: {  	[tilespmem:s28], [sflag:$0x2] =	stream.indirect_vreg.gather [hbm4b:s8+s5], $0x80, v22, vm0, $0xb8;
	[tilespmem:$0x10700] =	vst v63  }
0x1b9: {  	s24 =	simm.s32 $0xBF00;
	v21 =	vadd.s32 v2, v21  }
0x1ba: {  	[tilespmem:s24], [sflag:$0x2] =	stream.indirect_vreg.gather [hbm4b:s9+s5], $0x80, v22, vm0, $0xb8;
	[tilespmem:$0x10700] =	vst v63  }
0x1bb: {  	s25 =	simm.s32 $0xC700  }
0x1bc: {  	[tilespmem:s25], [sflag:$0x2] =	stream.indirect_vreg.gather [hbm4b:s10+s5], $0x80, v22, vm1, $0xb8;
	[tilespmem:$0x10700] =	vst v63  }
0x1bd: {  	s26 =	simm.s32 $0xCB00  }
0x1be: {  	[tilespmem:s26], [sflag:$0x2] =	stream.indirect_vreg.gather [hbm4b:s1+s5], $0x80, v21, vm0, $0xb8;
	[tilespmem:$0x10700] =	vst v63  }
0x1bf: {  	s28 =	simm.s32 $0xD300  }
0x1c0: {  	[tilespmem:s28], [sflag:$0x2] =	stream.indirect_vreg.gather [hbm4b:s8+s5], $0x80, v21, vm0, $0xb8;
	[tilespmem:$0x10700] =	vst v63  }
0x1c1: {  	_ = 	snop  }
0x1c2: {  	[tilespmem:s30], [sflag:$0x2] =	stream.indirect_vreg.gather [hbm4b:s9+s5], $0x80, v21, vm0, $0xb8;
	[tilespmem:$0x10700] =	vst v63  }
.Ltmp12:
0x1c3: {  	_ = 	snop;
	(pc) =	sbr.rel .LBB2_4-.Ltmp12, $4  }
0x1c4: {  	_ = 	snop  }
0x1c5: {  	[tilespmem:s3], [sflag:$0x2] =	stream.indirect_vreg.gather [hbm4b:s10+s5], $0x80, v21, vm1, $0xb8;
	[tilespmem:$0x10700] =	vst v63  }
0x1c6: {  	s31 =	sadd.s32 $0x1, s31;
	s22 =	sadd.s32 $0x3E0, s22  }
0x1c7: {  	[tilespmem:s7], [sflag:$0x2] =	stream.indirect.gather [hbm4b:s2+s29], $0x80, s22, s29, $0xb8;
	[tilespmem:$0x10700] =	vst v63  }
.LBB2_23:
0x1c8: {  	_ =	sfence.sel $0x180000  }
0x1c9: {  	[bflag:$0x0] =	sbarrier.arrive $0xFFFF  }
0x1ca: {  	_ =	strace $0x90000047  }
0x1cb: {  	s0 =	stileid.u32;
	[bflag:$0x2] =	sbarrier.arrive $0xFFFF  }
0x1cc: {  	p0 =	sne.s32 s0, $0x0;
	s0 =	rddreg [dreg:$0x3]  }
0x1cd: {  	s0 =	sadd.s32 @!p0 $0x100000, s0  }
0x1ce: {  	[sflag:s0] =	ssyncadd.tile.s32 @!p0 $0x1;
	_ =	shalt  }
.Lfunc_end2:
_tile_overlayer_lowered:
.L_overlay_start_2:
0x1cf: {  	(tag) =	ssettag $0x2  }
0x1d0: {  	s0 =	rddreg [dreg:$0x0];
	s2 =	stileid.u32  }
0x1d1: {  	s1 =	rddreg [dreg:$0x1];
	p0 =	sne.s32 s2, $0x0  }
0x1d2: {  	s3 =	rddreg [dreg:$0x2];
	[bflag:$0x3] =	sbarrier.arrive $0xFFFF;
	s2 =	simm.s32 @!p0 $0x1C05  }
0x1d3: {  	[timem:s3], [sflag:s2] =	dma.local @!p0 [hbm:s0], s1  }
0x1d4: {  	s0 =	simm.s32 @!p0 $0x5  }
0x1d5: {  	_ =	swait.ge @!p0 [sflag:s0], s1  }
0x1d6: {  	s1 =	ssub.s32 @!p0 $0x0, s1;
	[sflag:s0] =	ssyncset.done @!p0 $0x0  }
0x1d7: {  	[sflag:s0] =	ssyncadd.s32 @!p0 s1  }
0x1d8: {  	[bflag:$0x3] =	sbarrier.arrive $0xFFFF  }
0x1d9: {  	_ =	shalt  }

// kernel: sparse-core-data-format-call.cloned.1.call-start
scs
called_computation_lowered:
.L_overlay_start_0:
0x0: {  	s2 =	sld [smem:$0x3FD9]  }
0x1: {  	s3 =	sld [smem:$0x3FFE];
	_ =	sdelay $0x1  }
0x2: {  	s1 =	srdreg.scid  }
0x3: {  	s0 =	sand.u32 $0x1, s1  }
0x4: {  	s18 =	sshll.u32 s0, $0xA;
	s2 =	sadd.s32 s3, s2  }
0x5: {  	s2 =	sadd.s32 s2, s18  }
0x6: {  	[smem:$0x3FC6] =	sst s2  }
0x7: {  	_ = 	snop  }
0x8: {  	s2 =	sld [smem:$0x3FD0];
	(tm) =	ssettm $0x1  }
0x9: {  	s19 =	sld [smem:$0x3FFB];
	_ =	sdelay $0x3  }
0xa: {  	_ =	strace s19  }
0xb: {  	s3 =	sld [smem:$0x3FFC];
	_ =	sdelay $0x3  }
0xc: {  	_ =	strace s3  }
0xd: {  	s3 =	sld [smem:$0x3FFD];
	_ =	sdelay $0x3  }
0xe: {  	_ =	strace s3  }
0xf: {  	_ =	strace $0x8FFFFFFF  }
0x10: {  	s20 =	sld [smem:$0x3FDB];
	_ =	sdelay $0x1  }
0x11: {  	s4 =	simm.s32 $_scs_section_size  }
0x12: {  	s5 =	simm.s32 $_size__tile_overlayer_lowered;
	s6 =	simm.s32 $_tile_overlayer_lowered  }
0x13: {  	s23 =	simm.s32 $0x1BFF;
	s22 =	sshll.u32 s6, $0x1;
	s3 =	sadd.s32 s4, s20  }
0x14: {  	s7 =	simm.s32 $0x0;
	s21 =	sshll.u32 s5, $0x1;
	s5 =	sadd.s32 s22, s3  }
0x15: {  	[timem:s7], [sflag:s23] =	dma.local [hbm:s5], s21  }
0x16: {  	_ =	swait.ge [sflag:s23], s21  }
0x17: {  	s4 =	ssub.s32 $0x0, s21;
	[sflag:s23] =	ssyncset.done $0x0  }
0x18: {  	[sflag:s23] =	ssyncadd.s32 s4;
	_ =	sdelay $0x1  }
0x19: {  	s24 =	simm.s32 $0x1B8B  }
0x1a: {  	_ =	swait.ge [sflag:s24], $0x1  }
0x1b: {  	[sflag:s24] =	ssyncset.done $0x0  }
0x1c: {  	s26 =	simm.s32 $0x1B8E;
	s25 =	sld [smem:$0x3FFE];
	[sflag:s24] =	ssyncadd.s32 $0xFFFFFFFF  }
0x1d: {  	s27 =	simm.s32 $execute0_lowered;
	[smem:$0x3FD2] =	sst s26  }
0x1e: {  	s5 =	sshll.u32 s27, $0x1;
	_ =	strace $0x80000049;
	[dreg:$0x1] =	wrdreg $0xFFFFFFFF  }
0x1f: {  	s28 =	simm.s32 $_size_execute0_lowered;
	s3 =	sadd.s32 s3, s5;
	[dreg:$0x0] =	wrdreg $0x0  }
0x20: {  	s5 =	sshll.u32 s28, $0x1;
	[dreg:$0x2] =	wrdreg s3  }
0x21: {  	[dreg:$0x3] =	wrdreg s5  }
0x22: {  	[dreg:$0x4] =	wrdreg $0xC0  }
0x23: {  	_ =	task [dreg:s7], $0x5FFFF  }
0x24: {  	[dreg:$0x1] =	wrdreg $0xFFFFFFFF  }
0x25: {  	[dreg:$0x0] =	wrdreg $0x60  }
0x26: {  	[dreg:$0x2] =	wrdreg s25  }
0x27: {  	[dreg:$0x3] =	wrdreg s2  }
0x28: {  	[dreg:$0x4] =	wrdreg $0x9  }
0x29: {  	_ =	task.clear_ibuf [dreg:s7], $0x5FFFF;
	_ =	strace $0x90000049  }
0x2a: {  	s29 =	simm.s32 $0x9;
	_ =	strace $0x8000004B  }
0x2b: {  	_ =	swait.ge [sflag:s29], $0x1  }
0x2c: {  	[sflag:s29] =	ssyncadd.s32 $0xFFFFFFFF  }
0x2d: {  	_ =	strace $0x9000004B  }
0x2e: {  	_ =	sfence  }
0x2f: {  	s30 =	sld [smem:$0x0];
	_ =	sdelay $0x2  }
0x30: {  	s31 =	sshll.u32 s1, $0xD;
	s1 =	sshrl.u32 s1, $0x2  }
0x31: {  	s3 =	sand.u32 $0x4000, s31;
	s1 =	sadd.s32 s1, s30  }
0x32: {  	s0 =	sor.u32 s3, s0;
	s1 =	sshll.u32 s1, $0x11  }
0x33: {  	s0 =	sor.u32 s1, s0  }
0x34: {  	s0 =	sadd.s32 $0x8F2B, s0  }
0x35: {  	[sflag:s0] =	ssyncadd.remote.s32 $0x1  }
0x36: {  	_ =	sfence.sel $0xFFFF  }
0x37: {  	[dreg:$0x0] =	wrdreg $0xFFFFFFFF;
	(pc) =	sbr.abs _section_cstart, $3  }
0x38: {  	[dreg:$0x1] =	wrdreg $0xFFFFFFFF  }
0x39: {  	_ =	task.clear_ibuf [dreg:s7], $0x2FFFF;
	_ =	strace $0x9FFFFFFF  }
0x3a: {  	(tm) =	ssettm $0x7FFFFFFF  }
0x3b: {  	_ =	shalt  }
tec
execute0_lowered:
.L_overlay_start_1:
0x0: {  	(tag) =	ssettag $0x1  }
0x1: {  	s4 =	rddreg [dreg:$0x0]  }
0x2: {  	s0 =	stileid.u32;
	s2 =	rddreg [dreg:$0x1]  }
0x3: {  	s7 =	srdreg.scid;
	s31 =	simm.s32 $0x2;
	s16 =	simm.s32 $0x0  }
0x4: {  	s9 =	simm.s32 $0x2000;
	s15 =	simm.s32 $0x0;
	s1 =	sshll.u32 s0, $0x7  }
0x5: {  	s10 =	simm.s32 $0x0;
	s11 =	simm.s32 $0x0;
	s3 =	sand.u32 $0x380, s1  }
0x6: {  	s14 =	simm.s32 $0x0;
	s4 =	sadd.s32 $0x341600, s4;
	s5 =	ssub.s32 $0x400, s3  }
0x7: {  	s8 =	sshll.u32 s0, $0x4;
	s7 =	sshll.u32 s7, $0x8;
	s6 =	sand.u32 $0x380, s5  }
0x8: {  	s1 =	rddreg [dreg:$0x2];
	p0 =	sne.s32 s6, $0x0;
	s6 =	simm.s32 $0x1  }
.Ltmp0:
0x9: {  	s5 =	sshrl.u32 s5, $0xA;
	s6 =	simm.s32 @!p0 $0x0;
	(pc) =	sbr.rel .LBB1_1-.Ltmp0, $4  }
0xa: {  	_ =	strace $0x8000004A;
	s7 =	sor.u32 s8, s7;
	s6 =	sadd.s32 s6, s5  }
0xb: {  	s7 =	sand.u32 $0x180, s7;
	s5 =	simm.s32 $0x1;
	s6 =	smul.u32 $0x33, s6  }
0xc: {  	s13 =	smov.u32 s3;
	s12 =	smov.u32 s7;
	[sflag:s5] =	ssyncpa.u1 $0x0  }
0xd: {  	p0 =	por $0x0, $0x0;
	[sflag:s31] =	ssyncpa.u1 $0x0;
	s8 =	sadd.s32 $0x1, s6  }
.LBB1_4:
0xe: {  	s21 =	sshra.s32 s21, $0x2;
	s27 =	sshll.u32 s10, $0xA;
	s22 =	sshll.u32 s11, $0x3  }
0xf: {  	s23 =	sshll.u32 s10, $0x7;
	s24 =	sand.u32 $0x78, s11;
	p1 =	sgt.s32 s10, $0x6510  }
0x10: {  	s25 =	sshra.s32 s10, $0x1F;
	s26 =	sshra.s32 s11, $0x1F;
	s20 =	sadd.s32 s21, s20  }
0x11: {  	v5 =	vld [tilespmem:s18+$0xFFFFFFD0];
	[tilespmem:s19+$0x2040 ss:$0x81] =	vst.msk $0xffff, v4;
	s21 =	sand.u32 $0xFFFFE000, s27;
	s22 =	sand.u32 $0xFFFFFC00, s22;
	s28 =	sand.u32 $0x380, s23  }
0x12: {  	v58 =	vld [tilespmem:s18+$0xFFFFFFE0];
	[tilespmem:s19+$0x2850 ss:$0x81] =	vst.msk $0xffff, v3;
	s23 =	smov.u32 s10;
	s30 =	sand.u32 s25, s10;
	s25 =	smov.u32 s11  }
0x13: {  	v59 =	vld [tilespmem:s18+$0xFFFFFFF0];
	[tilespmem:s19+$0x3060 ss:$0x81] =	vst.msk $0xffff, v2;
	s31 =	sand.u32 s26, s11;
	s21 =	sadd.s32 s22, s21;
	s22 =	sor.u32 s24, s28  }
0x14: {  	v60 =	vld [tilespmem:s18+$0x0];
	[tilespmem:s19+$0x0 ss:$0x81] =	vst.msk $0xffff, v1;
	s23 =	simm.s32 @!p1 $0x6510;
	p1 =	sgt.s32 s11, $0x380;
	s21 =	sshrl.u32 s21, $0xA  }
0x15: {  	v61 =	vld [tilespmem:s18+$0x10];
	[tilespmem:s20+$0x3870 ss:$0x81] =	vst.msk $0xffff, v0;
	s19 =	ssub.s32 s23, s30;
	s25 =	simm.s32 @!p1 $0x380;
	s29 =	smulhi.u32 $0x285471, s21  }
0x16: {  	v62 =	vld [tilespmem:s18+$0x20];
	s23 =	ssub.s32 s25, s31;
	s26 =	sadd.s32 $0xFFFF9AF0, s19;
	s19 =	ssub.s32 $0x6590, s19;
	[tilespmem:s20+$0x810 ss:$0x81] =	vst.msk $0xffff, v5  }
0x17: {  	v63 =	vld [tilespmem:s18+$0xFFFFFFC0];
	[tilespmem:s20+$0x1020 ss:$0x81] =	vst.msk $0xffff, v58;
	p1 =	sgt.s32 s26, $0x7F;
	s28 =	sadd.s32 $0xFFFFFC80, s23;
	s24 =	sshrl.u32 s29, $0x4  }
0x18: {  	[tilespmem:s20+$0x1830 ss:$0x81] =	vst.msk $0xffff, v59;
	s23 =	ssub.s32 $0x400, s23;
	p2 =	sgt.s32 s28, $0x7F;
	s27 =	smul.u32 $0x6590, s24  }
0x19: {  	s30 =	sand.u32 $0x7, s11;
	[tilespmem:s20+$0x2040 ss:$0x81] =	vst.msk $0xffff, v60;
	s19 =	simm.s32 @p1 $0x0;
	s23 =	simm.s32 @p2 $0x0  }
0x1a: {  	[tilespmem:s20+$0x2850 ss:$0x81] =	vst.msk $0xffff, v61;
	s29 =	sshrl.u32 s22, $0x3;
	s19 =	smul.u32 s23, s19;
	s18 =	ssub.s32 s21, s27  }
0x1b: {  	[tilespmem:s20+$0x3060 ss:$0x81] =	vst.msk $0xffff, v62;
	s22 =	sshll.u32 s30, $0x12;
	s21 =	sadd.s32 s2, s29;
	s18 =	sshll.u32 s18, $0x7  }
0x1c: {  	[tilespmem:s20+$0x0 ss:$0x81] =	vst.msk $0xffff, v63;
	s31 =	sor.u32 $0x400, s22;
	s19 =	sand.u32 $0x3FFFFFFF, s19;
	s18 =	sadd.s32 s18, s21  }
0x1d: {  	[hbm4b:s18+s31] =	stream.strided.scatter [tilespmem:s17], [sflag:$0x2], s19, s9, s31, $0x20;
	[tilespmem:$0x10100] =	vst v63  }
.LBB1_5:
0x1e: {  	p1 =	slt.u32 s14, $0x2  }
0x1f: {  	s18 =	smov.u32 s16;
	p2 =	sgt.s32 @!p1 s16, $0x6510;
	s17 =	sshra.s32 @!p1 s16, $0x1F  }
0x20: {  	p3 =	sgt.s32 @!p1 s15, $0x380;
	s19 =	sshra.s32 @!p1 s15, $0x1F;
	p2 =	por !p2, p1  }
0x21: {  	s16 =	sand.u32 @!p1 s17, s16;
	p3 =	por !p3, p1;
	s17 =	smov.u32 s15  }
0x22: {  	s15 =	sand.u32 @!p1 s19, s15;
	s18 =	simm.s32 @p2 $0x6510;
	s17 =	simm.s32 @p3 $0x380  }
0x23: {  	s16 =	ssub.s32 @!p1 s18, s16;
	s15 =	ssub.s32 @!p1 s17, s15  }
0x24: {  	s19 =	smov.u32 s13;
	s17 =	sadd.s32 @!p1 $0xFFFF9AF0, s16;
	s18 =	sadd.s32 @!p1 $0xFFFFFC80, s15  }
0x25: {  	s16 =	ssub.s32 @!p1 $0x6590, s16;
	p2 =	sgt.s32 @!p1 s17, $0x7F;
	p3 =	sgt.s32 @!p1 s18, $0x7F  }
0x26: {  	s15 =	ssub.s32 @!p1 $0x400, s15;
	p2 =	por !p2, p1;
	p3 =	por !p3, p1  }
0x27: {  	s17 =	sadd.s32 $0x200, s12;
	s16 =	simm.s32 @!p2 $0x0;
	s15 =	simm.s32 @!p3 $0x0  }
0x28: {  	p2 =	sgt.s32 s17, $0x658F;
	s15 =	smul.u32 @!p1 s15, s16;
	s16 =	sadd.s32 $0x400, s13  }
0x29: {  	s19 =	smov.u32 @p2 s16  }
0x2a: {  	s17 =	smov.u32 @p2 s7;
	p2 =	sgt.s32 s19, $0x3FF  }
0x2b: {  	s19 =	smov.u32 @p2 s3;
	p2 =	sne.s32 s14, s8  }
.Ltmp1:
0x2c: {  	p0 =	por !p0, !p0;
	s18 =	simm.s32 @!p1 $0x2;
	(pc) =	sbr.rel @!p2 .LBB1_6-.Ltmp1, $4  }
0x2d: {  	s16 =	smov.u32 s10;
	s10 =	smov.u32 s12;
	s15 =	sand.u32 @!p1 $0x3FFFFFFF, s15  }
0x2e: {  	s12 =	smov.u32 s17;
	_ =	swait.ge @!p1 [sflag:s18], s15;
	s20 =	ssub.s32 @!p1 $0x0, s15  }
0x2f: {  	s15 =	smov.u32 s11;
	s14 =	sadd.s32 $0x1, s14;
	[sflag:s18] =	ssyncset.done @!p1 $0x0  }
0x30: {  	s11 =	smov.u32 s13;
	s13 =	smov.u32 s19;
	[sflag:s18] =	ssyncadd.s32 @!p1 s20  }
.LBB1_1:
0x31: {  	p1 =	sge.u32 s14, s6  }
0x32: {  	s17 =	sshrl.u32 @!p1 s13, $0x3  }
0x33: {  	s18 =	sshll.u32 @!p1 s12, $0x3;
	s17 =	smul.u32 @!p1 $0x33000, s17  }
0x34: {  	s19 =	sshll.u32 @!p1 s13, $0x7;
	s18 =	sand.u32 @!p1 $0xFFFFFC00, s18  }
0x35: {  	s17 =	sadd.s32 @!p1 s17, s18;
	s18 =	sand.u32 @!p1 $0x380, s19  }
0x36: {  	s19 =	sand.u32 @!p1 $0x7F, s12;
	s17 =	sor.u32 @!p1 s18, s17  }
0x37: {  	s18 =	sor.u32 @!p1 s19, s17  }
0x38: {  	s19 =	smulhi.u32 @!p1 $0xA0A0A0A1, s18;
	_ =	sdelay $0x1  }
0x39: {  	s17 =	smulhi.u32 @!p1 $0xA0A0A0A1, s17;
	s19 =	sshrl.u32 @!p1 s19, $0xE  }
0x3a: {  	s19 =	smul.u32 @!p1 $0x6600, s19  }
0x3b: {  	s31 =	sadd.s32 $0xFFFFFFFF, s14;
	s20 =	sxor.u32 @!p1 $0xFFFFFFFF, s14;
	s17 =	sshrl.u32 @!p1 s17, $0xE  }
0x3c: {  	s20 =	sshll.u32 @!p1 s20, $0xE;
	s17 =	sand.u32 @!p1 $0x3FF, s17;
	s18 =	ssub.s32 @!p1 s18, s19  }
0x3d: {  	s17 =	smul.u32 @!p1 $0xCC0, s17;
	s19 =	sshrl.u32 @!p1 s18, $0x3;
	s18 =	sand.u32 @!p1 $0x7, s18  }
0x3e: {  	s20 =	sand.u32 @!p1 $0x4000, s20;
	s19 =	sadd.s32 @!p1 s4, s19;
	s18 =	sshll.u32 @!p1 s18, $0x12  }
0x3f: {  	s17 =	sadd.s32 @!p1 s17, s19;
	s18 =	sor.u32 @!p1 $0x400, s18;
	s19 =	simm.s32 @!p1 $0x33000  }
0x40: {  	[tilespmem:s20], [sflag:$0x1] =	stream.strided.gather @!p1 [hbm4b:s17+s18], $0x4000, s19, s18, $0x38;
	[tilespmem:$0x10100] =	vst v63  }
0x41: {  	p1 =	sge.u32 s31, s6  }
.Ltmp2:
0x42: {  	_ = 	snop;
	(pc) =	sbr.rel @p1 .LBB1_5-.Ltmp2, $1  }
0x43: {  	_ =	sdelay $0x3  }
0x44: {  	s17 =	simm.s32 $0x1  }
0x45: {  	_ =	swait.ge [sflag:s5], $0x4000;
	s17 =	simm.s32 @!p0 $0x0  }
0x46: {  	[sflag:s5] =	ssyncset.done $0x0;
	s18 =	sshll.u32 s17, $0xE  }
0x47: {  	[sflag:s5] =	ssyncadd.s32 $0xFFFFC000;
	s18 =	sor.u32 $0x40, s18  }
0x48: {  	s17 =	smul.u32 $0x10200, s17;
	v0 =	vld [tilespmem:s18+$0x30]  }
0x49: {  	v1 =	vld [tilespmem:s18+$0xFFFFFFD0]  }
0x4a: {  	s17 =	sshrl.u32 s17, $0x2;
	v5 =	vld [tilespmem:s18+$0xFFFFFFE0]  }
0x4b: {  	v6 =	vld [tilespmem:s18+$0xFFFFFFF0];
	s20 =	sor.u32 $0x8000, s17  }
0x4c: {  	s31 =	sand.u32 $0x1, s14;
	v4 =	vld [tilespmem:s18+$0x0];
	s19 =	sadd.s32 $0x0, s20  }
0x4d: {  	v3 =	vld [tilespmem:s18+$0x10];
	s17 =	smul.u32 $0x10200, s31;
	[tilespmem:s19+$0x3870 ss:$0x81] =	vst.msk $0xffff, v0  }
0x4e: {  	v2 =	vld [tilespmem:s18+$0x20];
	[tilespmem:s19+$0x810 ss:$0x81] =	vst.msk $0xffff, v1  }
0x4f: {  	s17 =	sshrl.u32 s17, $0x2;
	v1 =	vld [tilespmem:s18+$0xFFFFFFC0];
	[tilespmem:s19+$0x1020 ss:$0x81] =	vst.msk $0xffff, v5;
	s18 =	sadd.s32 $0x80, s18  }
0x50: {  	s21 =	simm.s32 $0x4;
	s22 =	simm.s32 $0x8;
	s17 =	sor.u32 $0x8000, s17;
	[tilespmem:s19+$0x1830 ss:$0x81] =	vst.msk $0xffff, v6;
	v0 =	vld [tilespmem:s18+$0x30]  }
.LBB1_3:
0x51: {  	p1 =	sne.s32 s22, $0x1FC;
	v5 =	vld [tilespmem:s18+$0xFFFFFFD0];
	[tilespmem:s19+$0x2040 ss:$0x81] =	vst.msk $0xffff, v4  }
0x52: {  	v6 =	vld [tilespmem:s18+$0xFFFFFFE0];
	[tilespmem:s19+$0x2850 ss:$0x81] =	vst.msk $0xffff, v3  }
0x53: {  	s23 =	sshra.s32 s21, $0x2;
	s21 =	smov.u32 s22;
	v7 =	vld [tilespmem:s18+$0xFFFFFFF0];
	[tilespmem:s19+$0x3060 ss:$0x81] =	vst.msk $0xffff, v2  }
.Ltmp3:
0x54: {  	v4 =	vld [tilespmem:s18+$0x0];
	[tilespmem:s19+$0x0 ss:$0x81] =	vst.msk $0xffff, v1;
	s19 =	sadd.s32 s23, s20;
	(pc) =	sbr.rel @p1 .LBB1_3-.Ltmp3, $4  }
0x55: {  	v3 =	vld [tilespmem:s18+$0x10];
	[tilespmem:s19+$0x3870 ss:$0x81] =	vst.msk $0xffff, v0  }
0x56: {  	[tilespmem:s19+$0x810 ss:$0x81] =	vst.msk $0xffff, v5;
	v2 =	vld [tilespmem:s18+$0x20]  }
0x57: {  	v1 =	vld [tilespmem:s18+$0xFFFFFFC0];
	[tilespmem:s19+$0x1020 ss:$0x81] =	vst.msk $0xffff, v6;
	s18 =	sadd.s32 $0x80, s18  }
0x58: {  	s22 =	sadd.s32 $0x4, s22;
	v0 =	vld [tilespmem:s18+$0x30];
	[tilespmem:s19+$0x1830 ss:$0x81] =	vst.msk $0xffff, v7  }
.Ltmp4:
0x59: {  	_ = 	snop;
	(pc) =	sbr.rel .LBB1_4-.Ltmp4, $1  }
0x5a: {  	_ =	sdelay $0x3  }
.LBB1_6:
0x5b: {  	_ =	sfence.sel $0x180000  }
0x5c: {  	s2 =	simm.s32 $0x1;
	[bflag:$0x0] =	sbarrier.arrive $0xFFFF  }
0x5d: {  	s31 =	simm.s32 $0x2;
	[sflag:s2] =	ssyncpa.u1 $0x1  }
0x5e: {  	[sflag:s31] =	ssyncpa.u1 $0x1  }
0x5f: {  	p0 =	sne.s32 s0, $0x0;
	_ =	strace $0x9000004A  }
0x60: {  	s0 =	sadd.s32 @!p0 $0x100000, s1;
	[bflag:$0x2] =	sbarrier.arrive $0xFFFF  }
0x61: {  	[sflag:s0] =	ssyncadd.tile.s32 @!p0 $0x1;
	_ =	shalt  }
.Lfunc_end1:
_tile_overlayer_lowered:
.L_overlay_start_2:
0x62: {  	(tag) =	ssettag $0x2  }
0x63: {  	s0 =	rddreg [dreg:$0x0];
	s2 =	stileid.u32  }
0x64: {  	s1 =	rddreg [dreg:$0x1];
	p0 =	sne.s32 s2, $0x0  }
0x65: {  	s3 =	rddreg [dreg:$0x2];
	[bflag:$0x3] =	sbarrier.arrive $0xFFFF;
	s2 =	simm.s32 @!p0 $0x1C01  }
0x66: {  	[timem:s3], [sflag:s2] =	dma.local @!p0 [hbm:s0], s1  }
0x67: {  	s0 =	simm.s32 @!p0 $0x1  }
0x68: {  	_ =	swait.ge @!p0 [sflag:s0], s1  }
0x69: {  	s1 =	ssub.s32 @!p0 $0x0, s1;
	[sflag:s0] =	ssyncset.done @!p0 $0x0  }
0x6a: {  	[sflag:s0] =	ssyncadd.s32 @!p0 s1  }
0x6b: {  	[bflag:$0x3] =	sbarrier.arrive $0xFFFF  }
0x6c: {  	_ =	shalt  }

</sc_bundles>
